<compile_context>
chip_gen: v7x
topology: tpu7x:2x2x1
jax: 0.10.2.dev20260603
libtpu: 0.0.44.dev20260713+nightly
codegen_flags: <defaults>
</compile_context>

<pallas_src>
import functools

import jax
import jax.numpy as jnp
from jax import lax
from jax.experimental import pallas as pl
from jax.experimental.pallas import tpu as pltpu
from jax.experimental.pallas import tpu_sc as plsc

_NC = 2
_NS = 16
_LANES = 16
_NW = _NC * _NS

_EPS = 1e-8


@functools.partial(jax.jit, static_argnames=("n", "m", "f"))
def _run(ids2, tmp2, tkf3, kvec, idxmp, idxkf, *, n, m, f):
    obs_t = 640
    vec_t = obs_t // _LANES
    assert n >= obs_t and n % 8 == 0 and m % _LANES == 0

    mesh = plsc.VectorSubcoreMesh(core_axis_name="c", subcore_axis_name="s",
                                  num_cores=_NC, num_subcores=_NS)

    @functools.partial(
        pl.kernel,
        mesh=mesh,
        compiler_params=pltpu.CompilerParams(needs_layout_passes=False,
                                             use_tc_tiling_on_sc=False),
        out_type=jax.ShapeDtypeStruct((2, n), jnp.float32),
        scratch_types=[
            pltpu.VMEM((obs_t,), jnp.int32),
            pltpu.VMEM((obs_t,), jnp.int32),
            [pltpu.VMEM((m,), jnp.float32)] * 3,
            [pltpu.VMEM((f,), jnp.float32)] * 12,
            pltpu.VMEM((16,), jnp.float32),
            pltpu.VMEM((5, 128), jnp.int32),
            pltpu.VMEM((1, 64), jnp.int32),
            pltpu.VMEM((5, 128), jnp.int32),
            pltpu.VMEM((1, 64), jnp.int32),
            pltpu.VMEM((obs_t,), jnp.int32),
            pltpu.VMEM((obs_t,), jnp.int32),
            pltpu.VMEM_SHARED((m,), jnp.int32),
            pltpu.VMEM_SHARED((f,), jnp.int32),
            pltpu.VMEM((obs_t,), jnp.float32),
            pltpu.VMEM((obs_t,), jnp.float32),
            pltpu.SemaphoreType.DMA,
            pltpu.SemaphoreType.DMA,
            pltpu.SemaphoreType.DMA,
            pltpu.SemaphoreType.DMA,
        ],
    )
    def sc_kernel(ids_hbm, tmp_hbm, tkf_hbm, k_hbm, idxmp_hbm,
                  idxkf_hbm, uv_hbm,
                  fid_v, pid_v, cols_v, acols_v, k_v, idxc_v, idxkfc_v,
                  vals_v, valskf_v, mp_v, kf_v, invmp_sp, invkf_sp,
                  u_v, v_v, sem_idx, sem_rest, sem_sc, sem_g):
        wid = lax.axis_index("s") * _NC + lax.axis_index("c")
        sid = lax.axis_index("s")
        base = jnp.minimum(wid * obs_t, n - obs_t)
        mb = jnp.minimum(sid * 640, m - 640)
        fb = jnp.minimum(sid * 64, f - 64)

        c_idx = [pltpu.async_copy(idxmp_hbm.at[pl.ds(mb + 128 * q, 128)],
                                  idxc_v.at[q], sem_idx) for q in range(5)]
        c_idx.append(pltpu.async_copy(idxkf_hbm.at[pl.ds(fb, 64)],
                                      idxkfc_v.at[0], sem_idx))
        c_rest = [
            pltpu.async_copy(ids_hbm.at[0, pl.ds(base, obs_t)], fid_v,
                             sem_rest),
            pltpu.async_copy(ids_hbm.at[1, pl.ds(base, obs_t)], pid_v,
                             sem_rest),
            pltpu.async_copy(k_hbm, k_v, sem_rest),
        ]
        for c in range(3):
            c_rest.append(
                pltpu.async_copy(tmp_hbm.at[c], cols_v[c], sem_rest))
        for k in range(12):
            c_rest.append(
                pltpu.async_copy(tkf_hbm.at[k], acols_v[k], sem_rest))

        lanes = lax.iota(jnp.int32, _LANES)

        for q in range(5):
            for o in range(0, 128, _LANES):
                vals_v[q, pl.ds(o, _LANES)] = mb + 128 * q + o + lanes
        for o in range(0, 64, _LANES):
            valskf_v[0, pl.ds(o, _LANES)] = fb + o + lanes
        for c in c_idx:
            c.wait()
        c_sc = [pltpu.async_copy(vals_v.at[q], invmp_sp.at[idxc_v.at[q]],
                                 sem_sc) for q in range(5)]
        c_sc.append(pltpu.async_copy(valskf_v.at[0],
                                     invkf_sp.at[idxkfc_v.at[0]], sem_sc))
        for c in c_sc:
            c.wait()
        plsc.subcore_barrier()

        c_rest[0].wait()
        c_rest[1].wait()
        c_g = []
        for q in range(5):
            sl = pl.ds(128 * q, 128)
            c_g.append(pltpu.async_copy(invkf_sp.at[fid_v.at[sl]],
                                        kf_v.at[sl], sem_g))
            c_g.append(pltpu.async_copy(invmp_sp.at[pid_v.at[sl]],
                                        mp_v.at[sl], sem_g))
        for c in c_rest[2:]:
            c.wait()
        for c in c_g:
            c.wait()

        kvals = k_v[...]
        fx = kvals[0]
        cx = kvals[2]
        fy = kvals[4]
        cy = kvals[5]

        @plsc.parallel_loop(0, vec_t, unroll=4)
        def obs_body(t):
            o = t * _LANES
            kf = kf_v[pl.ds(o, _LANES)]
            mp = mp_v[pl.ds(o, _LANES)]
            x = plsc.load_gather(cols_v[0], [mp])
            y = plsc.load_gather(cols_v[1], [mp])
            z = plsc.load_gather(cols_v[2], [mp])
            a = [plsc.load_gather(acols_v[k], [kf]) for k in range(12)]
            px = a[0] * x + a[1] * y + a[2] * z + a[3]
            py = a[4] * x + a[5] * y + a[6] * z + a[7]
            pz = a[8] * x + a[9] * y + a[10] * z + a[11]
            mask = jnp.abs(pz) > _EPS
            safe = jnp.where(mask, pz, jnp.float32(1.0))
            s = jnp.where(mask, jnp.float32(1.0) / safe, jnp.float32(1.0))
            u_v[pl.ds(o, _LANES)] = fx * (px * s) + cx
            v_v[pl.ds(o, _LANES)] = fy * (py * s) + cy

        c_u = pltpu.async_copy(u_v, uv_hbm.at[0, pl.ds(base, obs_t)],
                               sem_g)
        c_v = pltpu.async_copy(v_v, uv_hbm.at[1, pl.ds(base, obs_t)],
                               sem_g)
        c_u.wait()
        c_v.wait()

    return sc_kernel(ids2, tmp2, tkf3, kvec, idxmp, idxkf)


def kernel(frame_id, point_id, tMP, tKF, K, idxMP, idxKF):
    n = frame_id.shape[0]
    m = tMP.shape[0]
    f = tKF.shape[0]
    kvec = jnp.pad(K.reshape(-1).astype(jnp.float32), (0, 16 - 9))
    tmpT = jnp.transpose(tMP)
    tkfT = jnp.transpose(tKF, (1, 2, 0)).reshape(16, f)
    ids2 = jnp.stack([frame_id.reshape(-1).astype(jnp.int32),
                      point_id.reshape(-1).astype(jnp.int32)])
    uv = _run(ids2, tmpT, tkfT, kvec, idxMP.astype(jnp.int32),
              idxKF.astype(jnp.int32), n=n, m=m, f=f)
    return jnp.transpose(uv)

# --- scband reference (transcript-rebuilt; emitter-appended) ---
"""Pipeline reference for scband-bagdnet-53231824666981 (READ-ONLY COPY).

The authoritative reference and input builder live on the scoring server;
editing this copy changes nothing except your own understanding.
"""

import jax, jax.numpy as jnp
import numpy as np

M = 10000  # map points
F = 1000   # keyframes
N = 20000  # observations
EPS = 1e-8


def _make_params(key):
    k1, k2, k3 = jax.random.split(key, 3)
    xy = jax.random.normal(k1, (M, 2), dtype=jnp.float32) * 2.0
    z = jax.random.uniform(k2, (M, 1), dtype=jnp.float32, minval=2.0, maxval=10.0)
    tMP = jnp.concatenate([xy, z], axis=-1)  # [M,3]
    noise = jax.random.normal(k3, (F, 4, 4), dtype=jnp.float32) * 0.01
    tKF = jnp.eye(4, dtype=jnp.float32)[None, :, :] + noise
    tKF = tKF.at[:, 3, :].set(jnp.array([0.0, 0.0, 0.0, 1.0], dtype=jnp.float32))  # [F,4,4]
    return tMP, tKF


def setup_inputs(seed: int = 0):
    key = jax.random.key(seed)
    ks = jax.random.split(key, 5)
    tMP, tKF = _make_params(ks[0])
    idxMP = jax.random.permutation(ks[1], jnp.arange(M, dtype=jnp.int32))
    idxKF = jax.random.permutation(ks[2], jnp.arange(F, dtype=jnp.int32))
    frame_id = jax.random.randint(ks[3], (N, 1), 0, F, dtype=jnp.int32)
    point_id = jax.random.randint(ks[4], (N, 1), 0, M, dtype=jnp.int32)
    K = jnp.array([[500.0, 0.0, 320.0], [0.0, 500.0, 240.0], [0.0, 0.0, 1.0]], dtype=jnp.float32)
    return {"frame_id": frame_id, "point_id": point_id, "tMP": tMP, "tKF": tKF, "K": K, "idxMP": idxMP, "idxKF": idxKF}


def _from_homogeneous(points, eps=EPS):
    # kornia.convert_points_from_homogeneous semantics
    w = points[..., -1:]
    mask = jnp.abs(w) > eps
    safe_w = jnp.where(mask, w, jnp.ones_like(w))
    scale = jnp.where(mask, 1.0 / safe_w, jnp.ones_like(w))
    return points[..., :-1] * scale


def reference(frame_id, point_id, tMP, tKF, K, idxMP, idxKF):
    # torch.where(frame_id == idxKF)[1]: each observation id matches exactly one
    # table row, so column-argmax over the broadcast equality mask is equivalent.
    indexKF = jnp.argmax(frame_id == idxKF[None, :], axis=1)  # [N]
    indexMP = jnp.argmax(point_id == idxMP[None, :], axis=1)  # [N]
    tMPhomo = jnp.concatenate([tMP, jnp.ones((tMP.shape[0], 1), dtype=tMP.dtype)], axis=-1)  # [M,4]
    points = jnp.squeeze(tKF[indexKF] @ tMPhomo[indexMP][..., None], -1)  # [N,4]
    Pc = _from_homogeneous(points)  # [N,3]
    xy = _from_homogeneous(Pc)      # perspective divide, [N,2]
    u = K[0, 0] * xy[..., 0] + K[0, 2]
    v = K[1, 1] * xy[..., 1] + K[1, 2]
    return jnp.stack([u, v], axis=-1)  # [N,2]

if __name__ == "__main__":
    import jax
    _d = setup_inputs()
    print(jax.jit(kernel)(*tuple(_d.values())))

</pallas_src>

<mosaic_0001>
#map = affine_map<(d0, d1) -> (0, 0)>
#map1 = affine_map<(d0, d1) -> (0)>
module attributes {stable_mosaic.version = 14 : i64} {
  func.func @sc_kernel(%arg0: i32, %arg1: i32, %arg2: memref<2x20000xi32, #tpu.memory_space<hbm>>, %arg3: memref<3x10000xf32, #tpu.memory_space<hbm>>, %arg4: memref<16x1000xf32, #tpu.memory_space<hbm>>, %arg5: memref<16xf32, #tpu.memory_space<hbm>>, %arg6: memref<10000xi32, #tpu.memory_space<hbm>>, %arg7: memref<1000xi32, #tpu.memory_space<hbm>>, %arg8: memref<2x20000xf32, #tpu.memory_space<hbm>>, %arg9: memref<640xi32, #tpu.memory_space<vmem>>, %arg10: memref<640xi32, #tpu.memory_space<vmem>>, %arg11: memref<10000xf32, #tpu.memory_space<vmem>>, %arg12: memref<10000xf32, #tpu.memory_space<vmem>>, %arg13: memref<10000xf32, #tpu.memory_space<vmem>>, %arg14: memref<1000xf32, #tpu.memory_space<vmem>>, %arg15: memref<1000xf32, #tpu.memory_space<vmem>>, %arg16: memref<1000xf32, #tpu.memory_space<vmem>>, %arg17: memref<1000xf32, #tpu.memory_space<vmem>>, %arg18: memref<1000xf32, #tpu.memory_space<vmem>>, %arg19: memref<1000xf32, #tpu.memory_space<vmem>>, %arg20: memref<1000xf32, #tpu.memory_space<vmem>>, %arg21: memref<1000xf32, #tpu.memory_space<vmem>>, %arg22: memref<1000xf32, #tpu.memory_space<vmem>>, %arg23: memref<1000xf32, #tpu.memory_space<vmem>>, %arg24: memref<1000xf32, #tpu.memory_space<vmem>>, %arg25: memref<1000xf32, #tpu.memory_space<vmem>>, %arg26: memref<16xf32, #tpu.memory_space<vmem>>, %arg27: memref<5x128xi32, #tpu.memory_space<vmem>>, %arg28: memref<1x64xi32, #tpu.memory_space<vmem>>, %arg29: memref<5x128xi32, #tpu.memory_space<vmem>>, %arg30: memref<1x64xi32, #tpu.memory_space<vmem>>, %arg31: memref<640xi32, #tpu.memory_space<vmem>>, %arg32: memref<640xi32, #tpu.memory_space<vmem>>, %arg33: memref<10000xi32, #tpu.memory_space<vmem_shared>>, %arg34: memref<1000xi32, #tpu.memory_space<vmem_shared>>, %arg35: memref<640xf32, #tpu.memory_space<vmem>>, %arg36: memref<640xf32, #tpu.memory_space<vmem>>, %arg37: memref<!tpu.dma_semaphore, #tpu.memory_space<semaphore_mem>>, %arg38: memref<!tpu.dma_semaphore, #tpu.memory_space<semaphore_mem>>, %arg39: memref<!tpu.dma_semaphore, #tpu.memory_space<semaphore_mem>>, %arg40: memref<!tpu.dma_semaphore, #tpu.memory_space<semaphore_mem>>) attributes {dimension_semantics = [#tpu.dimension_semantics<core_parallel>, #tpu.dimension_semantics<subcore_parallel>], iteration_bounds = array<i64: 2, 16>, scalar_prefetch = 0 : i64, scratch_operands = 32 : i64, tpu.core_type = #tpu.core_type<sc_vector_subcore>, window_params = [{transform_indices = #map}, {transform_indices = #map}, {transform_indices = #map}, {transform_indices = #map1}, {transform_indices = #map1}, {transform_indices = #map1}, {transform_indices = #map}]} {
    %mul3A = arith.constant 2 : i32
    %mul3A_0 = arith.muli %arg1, %mul3A : i32
    %add3A = arith.addi %mul3A_0, %arg0 : i32
    %mul3A_1 = arith.constant 640 : i32
    %mul3A_2 = arith.muli %add3A, %mul3A_1 : i32
    %min3A = arith.constant 19360 : i32
    %min3A_3 = arith.minsi %mul3A_2, %min3A : i32
    %mul3A_4 = arith.constant 640 : i32
    %mul3A_5 = arith.muli %arg1, %mul3A_4 : i32
    %min3A_6 = arith.constant 9360 : i32
    %min3A_7 = arith.minsi %mul3A_5, %min3A_6 : i32
    %mul3A_8 = arith.constant 64 : i32
    %mul3A_9 = arith.muli %arg1, %mul3A_8 : i32
    %min3A_10 = arith.constant 936 : i32
    %min3A_11 = arith.minsi %mul3A_9, %min3A_10 : i32
    %add3A_12 = arith.constant 0 : i32
    %add3A_13 = arith.addi %min3A_7, %add3A_12 : i32
    %dma_start3A = arith.constant 0 : i32
    %dma_start3A_14 = arith.constant 0 : i32
    %dma_start3A_15 = tpu.memref_slice %arg27[%dma_start3A, %dma_start3A_14] : memref<5x128xi32, #tpu.memory_space<vmem>> -> memref<1x128xi32, #tpu.memory_space<vmem>>
    %dma_start3A_16 = tpu.memref_squeeze %dma_start3A_15 : memref<1x128xi32, #tpu.memory_space<vmem>> -> memref<128xi32, #tpu.memory_space<vmem>>
    %dma_start3A_17 = tpu.memref_slice %arg6[%add3A_13] : memref<10000xi32, #tpu.memory_space<hbm>> -> memref<128xi32, #tpu.memory_space<hbm>>
    %dma_start3A_18 = arith.constant 0 : i32
    %dma_start3A_19 = tpu.memref_slice %arg27[%dma_start3A, %dma_start3A_18] : memref<5x128xi32, #tpu.memory_space<vmem>> -> memref<1x128xi32, #tpu.memory_space<vmem>>
    %dma_start3A_20 = tpu.memref_squeeze %dma_start3A_19 : memref<1x128xi32, #tpu.memory_space<vmem>> -> memref<128xi32, #tpu.memory_space<vmem>>
    %dma_start3A_21 = tpu.memref_slice %arg6[%add3A_13] : memref<10000xi32, #tpu.memory_space<hbm>> -> memref<128xi32, #tpu.memory_space<hbm>>
    tpu.enqueue_dma source(%dma_start3A_21 : memref<128xi32, #tpu.memory_space<hbm>>) target(%dma_start3A_20 : memref<128xi32, #tpu.memory_space<vmem>>) target_semaphore(%arg37 : memref<!tpu.dma_semaphore, #tpu.memory_space<semaphore_mem>>)
    %add3A_22 = arith.constant 128 : i32
    %add3A_23 = arith.addi %min3A_7, %add3A_22 : i32
    %dma_start3A_24 = arith.constant 1 : i32
    %dma_start3A_25 = arith.constant 0 : i32
    %dma_start3A_26 = tpu.memref_slice %arg27[%dma_start3A_24, %dma_start3A_25] : memref<5x128xi32, #tpu.memory_space<vmem>> -> memref<1x128xi32, #tpu.memory_space<vmem>>
    %dma_start3A_27 = tpu.memref_squeeze %dma_start3A_26 : memref<1x128xi32, #tpu.memory_space<vmem>> -> memref<128xi32, #tpu.memory_space<vmem>>
    %dma_start3A_28 = tpu.memref_slice %arg6[%add3A_23] : memref<10000xi32, #tpu.memory_space<hbm>> -> memref<128xi32, #tpu.memory_space<hbm>>
    %dma_start3A_29 = arith.constant 0 : i32
    %dma_start3A_30 = tpu.memref_slice %arg27[%dma_start3A_24, %dma_start3A_29] : memref<5x128xi32, #tpu.memory_space<vmem>> -> memref<1x128xi32, #tpu.memory_space<vmem>>
    %dma_start3A_31 = tpu.memref_squeeze %dma_start3A_30 : memref<1x128xi32, #tpu.memory_space<vmem>> -> memref<128xi32, #tpu.memory_space<vmem>>
    %dma_start3A_32 = tpu.memref_slice %arg6[%add3A_23] : memref<10000xi32, #tpu.memory_space<hbm>> -> memref<128xi32, #tpu.memory_space<hbm>>
    tpu.enqueue_dma source(%dma_start3A_32 : memref<128xi32, #tpu.memory_space<hbm>>) target(%dma_start3A_31 : memref<128xi32, #tpu.memory_space<vmem>>) target_semaphore(%arg37 : memref<!tpu.dma_semaphore, #tpu.memory_space<semaphore_mem>>)
    %add3A_33 = arith.constant 256 : i32
    %add3A_34 = arith.addi %min3A_7, %add3A_33 : i32
    %dma_start3A_35 = arith.constant 2 : i32
    %dma_start3A_36 = arith.constant 0 : i32
    %dma_start3A_37 = tpu.memref_slice %arg27[%dma_start3A_35, %dma_start3A_36] : memref<5x128xi32, #tpu.memory_space<vmem>> -> memref<1x128xi32, #tpu.memory_space<vmem>>
    %dma_start3A_38 = tpu.memref_squeeze %dma_start3A_37 : memref<1x128xi32, #tpu.memory_space<vmem>> -> memref<128xi32, #tpu.memory_space<vmem>>
    %dma_start3A_39 = tpu.memref_slice %arg6[%add3A_34] : memref<10000xi32, #tpu.memory_space<hbm>> -> memref<128xi32, #tpu.memory_space<hbm>>
    %dma_start3A_40 = arith.constant 0 : i32
    %dma_start3A_41 = tpu.memref_slice %arg27[%dma_start3A_35, %dma_start3A_40] : memref<5x128xi32, #tpu.memory_space<vmem>> -> memref<1x128xi32, #tpu.memory_space<vmem>>
    %dma_start3A_42 = tpu.memref_squeeze %dma_start3A_41 : memref<1x128xi32, #tpu.memory_space<vmem>> -> memref<128xi32, #tpu.memory_space<vmem>>
    %dma_start3A_43 = tpu.memref_slice %arg6[%add3A_34] : memref<10000xi32, #tpu.memory_space<hbm>> -> memref<128xi32, #tpu.memory_space<hbm>>
    tpu.enqueue_dma source(%dma_start3A_43 : memref<128xi32, #tpu.memory_space<hbm>>) target(%dma_start3A_42 : memref<128xi32, #tpu.memory_space<vmem>>) target_semaphore(%arg37 : memref<!tpu.dma_semaphore, #tpu.memory_space<semaphore_mem>>)
    %add3A_44 = arith.constant 384 : i32
    %add3A_45 = arith.addi %min3A_7, %add3A_44 : i32
    %dma_start3A_46 = arith.constant 3 : i32
    %dma_start3A_47 = arith.constant 0 : i32
    %dma_start3A_48 = tpu.memref_slice %arg27[%dma_start3A_46, %dma_start3A_47] : memref<5x128xi32, #tpu.memory_space<vmem>> -> memref<1x128xi32, #tpu.memory_space<vmem>>
    %dma_start3A_49 = tpu.memref_squeeze %dma_start3A_48 : memref<1x128xi32, #tpu.memory_space<vmem>> -> memref<128xi32, #tpu.memory_space<vmem>>
    %dma_start3A_50 = tpu.memref_slice %arg6[%add3A_45] : memref<10000xi32, #tpu.memory_space<hbm>> -> memref<128xi32, #tpu.memory_space<hbm>>
    %dma_start3A_51 = arith.constant 0 : i32
    %dma_start3A_52 = tpu.memref_slice %arg27[%dma_start3A_46, %dma_start3A_51] : memref<5x128xi32, #tpu.memory_space<vmem>> -> memref<1x128xi32, #tpu.memory_space<vmem>>
    %dma_start3A_53 = tpu.memref_squeeze %dma_start3A_52 : memref<1x128xi32, #tpu.memory_space<vmem>> -> memref<128xi32, #tpu.memory_space<vmem>>
    %dma_start3A_54 = tpu.memref_slice %arg6[%add3A_45] : memref<10000xi32, #tpu.memory_space<hbm>> -> memref<128xi32, #tpu.memory_space<hbm>>
    tpu.enqueue_dma source(%dma_start3A_54 : memref<128xi32, #tpu.memory_space<hbm>>) target(%dma_start3A_53 : memref<128xi32, #tpu.memory_space<vmem>>) target_semaphore(%arg37 : memref<!tpu.dma_semaphore, #tpu.memory_space<semaphore_mem>>)
    %add3A_55 = arith.constant 512 : i32
    %add3A_56 = arith.addi %min3A_7, %add3A_55 : i32
    %dma_start3A_57 = arith.constant 4 : i32
    %dma_start3A_58 = arith.constant 0 : i32
    %dma_start3A_59 = tpu.memref_slice %arg27[%dma_start3A_57, %dma_start3A_58] : memref<5x128xi32, #tpu.memory_space<vmem>> -> memref<1x128xi32, #tpu.memory_space<vmem>>
    %dma_start3A_60 = tpu.memref_squeeze %dma_start3A_59 : memref<1x128xi32, #tpu.memory_space<vmem>> -> memref<128xi32, #tpu.memory_space<vmem>>
    %dma_start3A_61 = tpu.memref_slice %arg6[%add3A_56] : memref<10000xi32, #tpu.memory_space<hbm>> -> memref<128xi32, #tpu.memory_space<hbm>>
    %dma_start3A_62 = arith.constant 0 : i32
    %dma_start3A_63 = tpu.memref_slice %arg27[%dma_start3A_57, %dma_start3A_62] : memref<5x128xi32, #tpu.memory_space<vmem>> -> memref<1x128xi32, #tpu.memory_space<vmem>>
    %dma_start3A_64 = tpu.memref_squeeze %dma_start3A_63 : memref<1x128xi32, #tpu.memory_space<vmem>> -> memref<128xi32, #tpu.memory_space<vmem>>
    %dma_start3A_65 = tpu.memref_slice %arg6[%add3A_56] : memref<10000xi32, #tpu.memory_space<hbm>> -> memref<128xi32, #tpu.memory_space<hbm>>
    tpu.enqueue_dma source(%dma_start3A_65 : memref<128xi32, #tpu.memory_space<hbm>>) target(%dma_start3A_64 : memref<128xi32, #tpu.memory_space<vmem>>) target_semaphore(%arg37 : memref<!tpu.dma_semaphore, #tpu.memory_space<semaphore_mem>>)
    %dma_start3A_66 = arith.constant 0 : i32
    %dma_start3A_67 = arith.constant 0 : i32
    %dma_start3A_68 = tpu.memref_slice %arg28[%dma_start3A_66, %dma_start3A_67] : memref<1x64xi32, #tpu.memory_space<vmem>> -> memref<1x64xi32, #tpu.memory_space<vmem>>
    %dma_start3A_69 = tpu.memref_squeeze %dma_start3A_68 : memref<1x64xi32, #tpu.memory_space<vmem>> -> memref<64xi32, #tpu.memory_space<vmem>>
    %dma_start3A_70 = tpu.memref_slice %arg7[%min3A_11] : memref<1000xi32, #tpu.memory_space<hbm>> -> memref<64xi32, #tpu.memory_space<hbm>>
    %dma_start3A_71 = arith.constant 0 : i32
    %dma_start3A_72 = tpu.memref_slice %arg28[%dma_start3A_66, %dma_start3A_71] : memref<1x64xi32, #tpu.memory_space<vmem>> -> memref<1x64xi32, #tpu.memory_space<vmem>>
    %dma_start3A_73 = tpu.memref_squeeze %dma_start3A_72 : memref<1x64xi32, #tpu.memory_space<vmem>> -> memref<64xi32, #tpu.memory_space<vmem>>
    %dma_start3A_74 = tpu.memref_slice %arg7[%min3A_11] : memref<1000xi32, #tpu.memory_space<hbm>> -> memref<64xi32, #tpu.memory_space<hbm>>
    tpu.enqueue_dma source(%dma_start3A_74 : memref<64xi32, #tpu.memory_space<hbm>>) target(%dma_start3A_73 : memref<64xi32, #tpu.memory_space<vmem>>) target_semaphore(%arg37 : memref<!tpu.dma_semaphore, #tpu.memory_space<semaphore_mem>>)
    %dma_start3A_75 = arith.constant 0 : i32
    %dma_start3A_76 = tpu.memref_slice %arg2[%dma_start3A_75, %min3A_3] : memref<2x20000xi32, #tpu.memory_space<hbm>> -> memref<1x640xi32, #tpu.memory_space<hbm>>
    %dma_start3A_77 = tpu.memref_squeeze %dma_start3A_76 : memref<1x640xi32, #tpu.memory_space<hbm>> -> memref<640xi32, #tpu.memory_space<hbm>>
    %dma_start3A_78 = tpu.memref_slice %arg2[%dma_start3A_75, %min3A_3] : memref<2x20000xi32, #tpu.memory_space<hbm>> -> memref<1x640xi32, #tpu.memory_space<hbm>>
    %dma_start3A_79 = tpu.memref_squeeze %dma_start3A_78 : memref<1x640xi32, #tpu.memory_space<hbm>> -> memref<640xi32, #tpu.memory_space<hbm>>
    tpu.enqueue_dma source(%dma_start3A_79 : memref<640xi32, #tpu.memory_space<hbm>>) target(%arg9 : memref<640xi32, #tpu.memory_space<vmem>>) target_semaphore(%arg38 : memref<!tpu.dma_semaphore, #tpu.memory_space<semaphore_mem>>)
    %dma_start3A_80 = arith.constant 1 : i32
    %dma_start3A_81 = tpu.memref_slice %arg2[%dma_start3A_80, %min3A_3] : memref<2x20000xi32, #tpu.memory_space<hbm>> -> memref<1x640xi32, #tpu.memory_space<hbm>>
    %dma_start3A_82 = tpu.memref_squeeze %dma_start3A_81 : memref<1x640xi32, #tpu.memory_space<hbm>> -> memref<640xi32, #tpu.memory_space<hbm>>
    %dma_start3A_83 = tpu.memref_slice %arg2[%dma_start3A_80, %min3A_3] : memref<2x20000xi32, #tpu.memory_space<hbm>> -> memref<1x640xi32, #tpu.memory_space<hbm>>
    %dma_start3A_84 = tpu.memref_squeeze %dma_start3A_83 : memref<1x640xi32, #tpu.memory_space<hbm>> -> memref<640xi32, #tpu.memory_space<hbm>>
    tpu.enqueue_dma source(%dma_start3A_84 : memref<640xi32, #tpu.memory_space<hbm>>) target(%arg10 : memref<640xi32, #tpu.memory_space<vmem>>) target_semaphore(%arg38 : memref<!tpu.dma_semaphore, #tpu.memory_space<semaphore_mem>>)
    tpu.enqueue_dma source(%arg5 : memref<16xf32, #tpu.memory_space<hbm>>) target(%arg26 : memref<16xf32, #tpu.memory_space<vmem>>) target_semaphore(%arg38 : memref<!tpu.dma_semaphore, #tpu.memory_space<semaphore_mem>>)
    %dma_start3A_85 = arith.constant 0 : i32
    %dma_start3A_86 = arith.constant 0 : i32
    %dma_start3A_87 = tpu.memref_slice %arg3[%dma_start3A_85, %dma_start3A_86] : memref<3x10000xf32, #tpu.memory_space<hbm>> -> memref<1x10000xf32, #tpu.memory_space<hbm>>
    %dma_start3A_88 = tpu.memref_squeeze %dma_start3A_87 : memref<1x10000xf32, #tpu.memory_space<hbm>> -> memref<10000xf32, #tpu.memory_space<hbm>>
    %dma_start3A_89 = arith.constant 0 : i32
    %dma_start3A_90 = tpu.memref_slice %arg3[%dma_start3A_85, %dma_start3A_89] : memref<3x10000xf32, #tpu.memory_space<hbm>> -> memref<1x10000xf32, #tpu.memory_space<hbm>>
    %dma_start3A_91 = tpu.memref_squeeze %dma_start3A_90 : memref<1x10000xf32, #tpu.memory_space<hbm>> -> memref<10000xf32, #tpu.memory_space<hbm>>
    tpu.enqueue_dma source(%dma_start3A_91 : memref<10000xf32, #tpu.memory_space<hbm>>) target(%arg11 : memref<10000xf32, #tpu.memory_space<vmem>>) target_semaphore(%arg38 : memref<!tpu.dma_semaphore, #tpu.memory_space<semaphore_mem>>)
    %dma_start3A_92 = arith.constant 1 : i32
    %dma_start3A_93 = arith.constant 0 : i32
    %dma_start3A_94 = tpu.memref_slice %arg3[%dma_start3A_92, %dma_start3A_93] : memref<3x10000xf32, #tpu.memory_space<hbm>> -> memref<1x10000xf32, #tpu.memory_space<hbm>>
    %dma_start3A_95 = tpu.memref_squeeze %dma_start3A_94 : memref<1x10000xf32, #tpu.memory_space<hbm>> -> memref<10000xf32, #tpu.memory_space<hbm>>
    %dma_start3A_96 = arith.constant 0 : i32
    %dma_start3A_97 = tpu.memref_slice %arg3[%dma_start3A_92, %dma_start3A_96] : memref<3x10000xf32, #tpu.memory_space<hbm>> -> memref<1x10000xf32, #tpu.memory_space<hbm>>
    %dma_start3A_98 = tpu.memref_squeeze %dma_start3A_97 : memref<1x10000xf32, #tpu.memory_space<hbm>> -> memref<10000xf32, #tpu.memory_space<hbm>>
    tpu.enqueue_dma source(%dma_start3A_98 : memref<10000xf32, #tpu.memory_space<hbm>>) target(%arg12 : memref<10000xf32, #tpu.memory_space<vmem>>) target_semaphore(%arg38 : memref<!tpu.dma_semaphore, #tpu.memory_space<semaphore_mem>>)
    %dma_start3A_99 = arith.constant 2 : i32
    %dma_start3A_100 = arith.constant 0 : i32
    %dma_start3A_101 = tpu.memref_slice %arg3[%dma_start3A_99, %dma_start3A_100] : memref<3x10000xf32, #tpu.memory_space<hbm>> -> memref<1x10000xf32, #tpu.memory_space<hbm>>
    %dma_start3A_102 = tpu.memref_squeeze %dma_start3A_101 : memref<1x10000xf32, #tpu.memory_space<hbm>> -> memref<10000xf32, #tpu.memory_space<hbm>>
    %dma_start3A_103 = arith.constant 0 : i32
    %dma_start3A_104 = tpu.memref_slice %arg3[%dma_start3A_99, %dma_start3A_103] : memref<3x10000xf32, #tpu.memory_space<hbm>> -> memref<1x10000xf32, #tpu.memory_space<hbm>>
    %dma_start3A_105 = tpu.memref_squeeze %dma_start3A_104 : memref<1x10000xf32, #tpu.memory_space<hbm>> -> memref<10000xf32, #tpu.memory_space<hbm>>
    tpu.enqueue_dma source(%dma_start3A_105 : memref<10000xf32, #tpu.memory_space<hbm>>) target(%arg13 : memref<10000xf32, #tpu.memory_space<vmem>>) target_semaphore(%arg38 : memref<!tpu.dma_semaphore, #tpu.memory_space<semaphore_mem>>)
    %dma_start3A_106 = arith.constant 0 : i32
    %dma_start3A_107 = arith.constant 0 : i32
    %dma_start3A_108 = tpu.memref_slice %arg4[%dma_start3A_106, %dma_start3A_107] : memref<16x1000xf32, #tpu.memory_space<hbm>> -> memref<1x1000xf32, #tpu.memory_space<hbm>>
    %dma_start3A_109 = tpu.memref_squeeze %dma_start3A_108 : memref<1x1000xf32, #tpu.memory_space<hbm>> -> memref<1000xf32, #tpu.memory_space<hbm>>
    %dma_start3A_110 = arith.constant 0 : i32
    %dma_start3A_111 = tpu.memref_slice %arg4[%dma_start3A_106, %dma_start3A_110] : memref<16x1000xf32, #tpu.memory_space<hbm>> -> memref<1x1000xf32, #tpu.memory_space<hbm>>
    %dma_start3A_112 = tpu.memref_squeeze %dma_start3A_111 : memref<1x1000xf32, #tpu.memory_space<hbm>> -> memref<1000xf32, #tpu.memory_space<hbm>>
    tpu.enqueue_dma source(%dma_start3A_112 : memref<1000xf32, #tpu.memory_space<hbm>>) target(%arg14 : memref<1000xf32, #tpu.memory_space<vmem>>) target_semaphore(%arg38 : memref<!tpu.dma_semaphore, #tpu.memory_space<semaphore_mem>>)
    %dma_start3A_113 = arith.constant 1 : i32
    %dma_start3A_114 = arith.constant 0 : i32
    %dma_start3A_115 = tpu.memref_slice %arg4[%dma_start3A_113, %dma_start3A_114] : memref<16x1000xf32, #tpu.memory_space<hbm>> -> memref<1x1000xf32, #tpu.memory_space<hbm>>
    %dma_start3A_116 = tpu.memref_squeeze %dma_start3A_115 : memref<1x1000xf32, #tpu.memory_space<hbm>> -> memref<1000xf32, #tpu.memory_space<hbm>>
    %dma_start3A_117 = arith.constant 0 : i32
    %dma_start3A_118 = tpu.memref_slice %arg4[%dma_start3A_113, %dma_start3A_117] : memref<16x1000xf32, #tpu.memory_space<hbm>> -> memref<1x1000xf32, #tpu.memory_space<hbm>>
    %dma_start3A_119 = tpu.memref_squeeze %dma_start3A_118 : memref<1x1000xf32, #tpu.memory_space<hbm>> -> memref<1000xf32, #tpu.memory_space<hbm>>
    tpu.enqueue_dma source(%dma_start3A_119 : memref<1000xf32, #tpu.memory_space<hbm>>) target(%arg15 : memref<1000xf32, #tpu.memory_space<vmem>>) target_semaphore(%arg38 : memref<!tpu.dma_semaphore, #tpu.memory_space<semaphore_mem>>)
    %dma_start3A_120 = arith.constant 2 : i32
    %dma_start3A_121 = arith.constant 0 : i32
    %dma_start3A_122 = tpu.memref_slice %arg4[%dma_start3A_120, %dma_start3A_121] : memref<16x1000xf32, #tpu.memory_space<hbm>> -> memref<1x1000xf32, #tpu.memory_space<hbm>>
    %dma_start3A_123 = tpu.memref_squeeze %dma_start3A_122 : memref<1x1000xf32, #tpu.memory_space<hbm>> -> memref<1000xf32, #tpu.memory_space<hbm>>
    %dma_start3A_124 = arith.constant 0 : i32
    %dma_start3A_125 = tpu.memref_slice %arg4[%dma_start3A_120, %dma_start3A_124] : memref<16x1000xf32, #tpu.memory_space<hbm>> -> memref<1x1000xf32, #tpu.memory_space<hbm>>
    %dma_start3A_126 = tpu.memref_squeeze %dma_start3A_125 : memref<1x1000xf32, #tpu.memory_space<hbm>> -> memref<1000xf32, #tpu.memory_space<hbm>>
    tpu.enqueue_dma source(%dma_start3A_126 : memref<1000xf32, #tpu.memory_space<hbm>>) target(%arg16 : memref<1000xf32, #tpu.memory_space<vmem>>) target_semaphore(%arg38 : memref<!tpu.dma_semaphore, #tpu.memory_space<semaphore_mem>>)
    %dma_start3A_127 = arith.constant 3 : i32
    %dma_start3A_128 = arith.constant 0 : i32
    %dma_start3A_129 = tpu.memref_slice %arg4[%dma_start3A_127, %dma_start3A_128] : memref<16x1000xf32, #tpu.memory_space<hbm>> -> memref<1x1000xf32, #tpu.memory_space<hbm>>
    %dma_start3A_130 = tpu.memref_squeeze %dma_start3A_129 : memref<1x1000xf32, #tpu.memory_space<hbm>> -> memref<1000xf32, #tpu.memory_space<hbm>>
    %dma_start3A_131 = arith.constant 0 : i32
    %dma_start3A_132 = tpu.memref_slice %arg4[%dma_start3A_127, %dma_start3A_131] : memref<16x1000xf32, #tpu.memory_space<hbm>> -> memref<1x1000xf32, #tpu.memory_space<hbm>>
    %dma_start3A_133 = tpu.memref_squeeze %dma_start3A_132 : memref<1x1000xf32, #tpu.memory_space<hbm>> -> memref<1000xf32, #tpu.memory_space<hbm>>
    tpu.enqueue_dma source(%dma_start3A_133 : memref<1000xf32, #tpu.memory_space<hbm>>) target(%arg17 : memref<1000xf32, #tpu.memory_space<vmem>>) target_semaphore(%arg38 : memref<!tpu.dma_semaphore, #tpu.memory_space<semaphore_mem>>)
    %dma_start3A_134 = arith.constant 4 : i32
    %dma_start3A_135 = arith.constant 0 : i32
    %dma_start3A_136 = tpu.memref_slice %arg4[%dma_start3A_134, %dma_start3A_135] : memref<16x1000xf32, #tpu.memory_space<hbm>> -> memref<1x1000xf32, #tpu.memory_space<hbm>>
    %dma_start3A_137 = tpu.memref_squeeze %dma_start3A_136 : memref<1x1000xf32, #tpu.memory_space<hbm>> -> memref<1000xf32, #tpu.memory_space<hbm>>
    %dma_start3A_138 = arith.constant 0 : i32
    %dma_start3A_139 = tpu.memref_slice %arg4[%dma_start3A_134, %dma_start3A_138] : memref<16x1000xf32, #tpu.memory_space<hbm>> -> memref<1x1000xf32, #tpu.memory_space<hbm>>
    %dma_start3A_140 = tpu.memref_squeeze %dma_start3A_139 : memref<1x1000xf32, #tpu.memory_space<hbm>> -> memref<1000xf32, #tpu.memory_space<hbm>>
    tpu.enqueue_dma source(%dma_start3A_140 : memref<1000xf32, #tpu.memory_space<hbm>>) target(%arg18 : memref<1000xf32, #tpu.memory_space<vmem>>) target_semaphore(%arg38 : memref<!tpu.dma_semaphore, #tpu.memory_space<semaphore_mem>>)
    %dma_start3A_141 = arith.constant 5 : i32
    %dma_start3A_142 = arith.constant 0 : i32
    %dma_start3A_143 = tpu.memref_slice %arg4[%dma_start3A_141, %dma_start3A_142] : memref<16x1000xf32, #tpu.memory_space<hbm>> -> memref<1x1000xf32, #tpu.memory_space<hbm>>
    %dma_start3A_144 = tpu.memref_squeeze %dma_start3A_143 : memref<1x1000xf32, #tpu.memory_space<hbm>> -> memref<1000xf32, #tpu.memory_space<hbm>>
    %dma_start3A_145 = arith.constant 0 : i32
    %dma_start3A_146 = tpu.memref_slice %arg4[%dma_start3A_141, %dma_start3A_145] : memref<16x1000xf32, #tpu.memory_space<hbm>> -> memref<1x1000xf32, #tpu.memory_space<hbm>>
    %dma_start3A_147 = tpu.memref_squeeze %dma_start3A_146 : memref<1x1000xf32, #tpu.memory_space<hbm>> -> memref<1000xf32, #tpu.memory_space<hbm>>
    tpu.enqueue_dma source(%dma_start3A_147 : memref<1000xf32, #tpu.memory_space<hbm>>) target(%arg19 : memref<1000xf32, #tpu.memory_space<vmem>>) target_semaphore(%arg38 : memref<!tpu.dma_semaphore, #tpu.memory_space<semaphore_mem>>)
    %dma_start3A_148 = arith.constant 6 : i32
    %dma_start3A_149 = arith.constant 0 : i32
    %dma_start3A_150 = tpu.memref_slice %arg4[%dma_start3A_148, %dma_start3A_149] : memref<16x1000xf32, #tpu.memory_space<hbm>> -> memref<1x1000xf32, #tpu.memory_space<hbm>>
    %dma_start3A_151 = tpu.memref_squeeze %dma_start3A_150 : memref<1x1000xf32, #tpu.memory_space<hbm>> -> memref<1000xf32, #tpu.memory_space<hbm>>
    %dma_start3A_152 = arith.constant 0 : i32
    %dma_start3A_153 = tpu.memref_slice %arg4[%dma_start3A_148, %dma_start3A_152] : memref<16x1000xf32, #tpu.memory_space<hbm>> -> memref<1x1000xf32, #tpu.memory_space<hbm>>
    %dma_start3A_154 = tpu.memref_squeeze %dma_start3A_153 : memref<1x1000xf32, #tpu.memory_space<hbm>> -> memref<1000xf32, #tpu.memory_space<hbm>>
    tpu.enqueue_dma source(%dma_start3A_154 : memref<1000xf32, #tpu.memory_space<hbm>>) target(%arg20 : memref<1000xf32, #tpu.memory_space<vmem>>) target_semaphore(%arg38 : memref<!tpu.dma_semaphore, #tpu.memory_space<semaphore_mem>>)
    %dma_start3A_155 = arith.constant 7 : i32
    %dma_start3A_156 = arith.constant 0 : i32
    %dma_start3A_157 = tpu.memref_slice %arg4[%dma_start3A_155, %dma_start3A_156] : memref<16x1000xf32, #tpu.memory_space<hbm>> -> memref<1x1000xf32, #tpu.memory_space<hbm>>
    %dma_start3A_158 = tpu.memref_squeeze %dma_start3A_157 : memref<1x1000xf32, #tpu.memory_space<hbm>> -> memref<1000xf32, #tpu.memory_space<hbm>>
    %dma_start3A_159 = arith.constant 0 : i32
    %dma_start3A_160 = tpu.memref_slice %arg4[%dma_start3A_155, %dma_start3A_159] : memref<16x1000xf32, #tpu.memory_space<hbm>> -> memref<1x1000xf32, #tpu.memory_space<hbm>>
    %dma_start3A_161 = tpu.memref_squeeze %dma_start3A_160 : memref<1x1000xf32, #tpu.memory_space<hbm>> -> memref<1000xf32, #tpu.memory_space<hbm>>
    tpu.enqueue_dma source(%dma_start3A_161 : memref<1000xf32, #tpu.memory_space<hbm>>) target(%arg21 : memref<1000xf32, #tpu.memory_space<vmem>>) target_semaphore(%arg38 : memref<!tpu.dma_semaphore, #tpu.memory_space<semaphore_mem>>)
    %dma_start3A_162 = arith.constant 8 : i32
    %dma_start3A_163 = arith.constant 0 : i32
    %dma_start3A_164 = tpu.memref_slice %arg4[%dma_start3A_162, %dma_start3A_163] : memref<16x1000xf32, #tpu.memory_space<hbm>> -> memref<1x1000xf32, #tpu.memory_space<hbm>>
    %dma_start3A_165 = tpu.memref_squeeze %dma_start3A_164 : memref<1x1000xf32, #tpu.memory_space<hbm>> -> memref<1000xf32, #tpu.memory_space<hbm>>
    %dma_start3A_166 = arith.constant 0 : i32
    %dma_start3A_167 = tpu.memref_slice %arg4[%dma_start3A_162, %dma_start3A_166] : memref<16x1000xf32, #tpu.memory_space<hbm>> -> memref<1x1000xf32, #tpu.memory_space<hbm>>
    %dma_start3A_168 = tpu.memref_squeeze %dma_start3A_167 : memref<1x1000xf32, #tpu.memory_space<hbm>> -> memref<1000xf32, #tpu.memory_space<hbm>>
    tpu.enqueue_dma source(%dma_start3A_168 : memref<1000xf32, #tpu.memory_space<hbm>>) target(%arg22 : memref<1000xf32, #tpu.memory_space<vmem>>) target_semaphore(%arg38 : memref<!tpu.dma_semaphore, #tpu.memory_space<semaphore_mem>>)
    %dma_start3A_169 = arith.constant 9 : i32
    %dma_start3A_170 = arith.constant 0 : i32
    %dma_start3A_171 = tpu.memref_slice %arg4[%dma_start3A_169, %dma_start3A_170] : memref<16x1000xf32, #tpu.memory_space<hbm>> -> memref<1x1000xf32, #tpu.memory_space<hbm>>
    %dma_start3A_172 = tpu.memref_squeeze %dma_start3A_171 : memref<1x1000xf32, #tpu.memory_space<hbm>> -> memref<1000xf32, #tpu.memory_space<hbm>>
    %dma_start3A_173 = arith.constant 0 : i32
    %dma_start3A_174 = tpu.memref_slice %arg4[%dma_start3A_169, %dma_start3A_173] : memref<16x1000xf32, #tpu.memory_space<hbm>> -> memref<1x1000xf32, #tpu.memory_space<hbm>>
    %dma_start3A_175 = tpu.memref_squeeze %dma_start3A_174 : memref<1x1000xf32, #tpu.memory_space<hbm>> -> memref<1000xf32, #tpu.memory_space<hbm>>
    tpu.enqueue_dma source(%dma_start3A_175 : memref<1000xf32, #tpu.memory_space<hbm>>) target(%arg23 : memref<1000xf32, #tpu.memory_space<vmem>>) target_semaphore(%arg38 : memref<!tpu.dma_semaphore, #tpu.memory_space<semaphore_mem>>)
    %dma_start3A_176 = arith.constant 10 : i32
    %dma_start3A_177 = arith.constant 0 : i32
    %dma_start3A_178 = tpu.memref_slice %arg4[%dma_start3A_176, %dma_start3A_177] : memref<16x1000xf32, #tpu.memory_space<hbm>> -> memref<1x1000xf32, #tpu.memory_space<hbm>>
    %dma_start3A_179 = tpu.memref_squeeze %dma_start3A_178 : memref<1x1000xf32, #tpu.memory_space<hbm>> -> memref<1000xf32, #tpu.memory_space<hbm>>
    %dma_start3A_180 = arith.constant 0 : i32
    %dma_start3A_181 = tpu.memref_slice %arg4[%dma_start3A_176, %dma_start3A_180] : memref<16x1000xf32, #tpu.memory_space<hbm>> -> memref<1x1000xf32, #tpu.memory_space<hbm>>
    %dma_start3A_182 = tpu.memref_squeeze %dma_start3A_181 : memref<1x1000xf32, #tpu.memory_space<hbm>> -> memref<1000xf32, #tpu.memory_space<hbm>>
    tpu.enqueue_dma source(%dma_start3A_182 : memref<1000xf32, #tpu.memory_space<hbm>>) target(%arg24 : memref<1000xf32, #tpu.memory_space<vmem>>) target_semaphore(%arg38 : memref<!tpu.dma_semaphore, #tpu.memory_space<semaphore_mem>>)
    %dma_start3A_183 = arith.constant 11 : i32
    %dma_start3A_184 = arith.constant 0 : i32
    %dma_start3A_185 = tpu.memref_slice %arg4[%dma_start3A_183, %dma_start3A_184] : memref<16x1000xf32, #tpu.memory_space<hbm>> -> memref<1x1000xf32, #tpu.memory_space<hbm>>
    %dma_start3A_186 = tpu.memref_squeeze %dma_start3A_185 : memref<1x1000xf32, #tpu.memory_space<hbm>> -> memref<1000xf32, #tpu.memory_space<hbm>>
    %dma_start3A_187 = arith.constant 0 : i32
    %dma_start3A_188 = tpu.memref_slice %arg4[%dma_start3A_183, %dma_start3A_187] : memref<16x1000xf32, #tpu.memory_space<hbm>> -> memref<1x1000xf32, #tpu.memory_space<hbm>>
    %dma_start3A_189 = tpu.memref_squeeze %dma_start3A_188 : memref<1x1000xf32, #tpu.memory_space<hbm>> -> memref<1000xf32, #tpu.memory_space<hbm>>
    tpu.enqueue_dma source(%dma_start3A_189 : memref<1000xf32, #tpu.memory_space<hbm>>) target(%arg25 : memref<1000xf32, #tpu.memory_space<vmem>>) target_semaphore(%arg38 : memref<!tpu.dma_semaphore, #tpu.memory_space<semaphore_mem>>)
    %iota3A = tpu.iota {dimensions = array<i32: 0>} : vector<16xi32>
    %add3A_190 = arith.constant 0 : i32
    %add3A_191 = arith.addi %min3A_7, %add3A_190 : i32
    %add3A_192 = arith.constant 0 : i32
    %add3A_193 = arith.addi %add3A_191, %add3A_192 : i32
    %add3A_194 = vector.broadcast %add3A_193 : i32 to vector<16xi32>
    %add3A_195 = arith.addi %add3A_194, %iota3A : vector<16xi32>
    %swap3A = arith.constant 0 : i32
    %swap3A_196 = arith.index_cast %swap3A : i32 to index
    %swap3A_197 = arith.constant 0 : index
    %swap3A_198 = tpu.vector_load %arg29[%swap3A_196, %swap3A_197] {strides = array<i32>} : memref<5x128xi32, #tpu.memory_space<vmem>>, vector<16xi32>,
    tpu.vector_store %arg29[%swap3A_196, %swap3A_197], %add3A_195 {strides = array<i32>} : memref<5x128xi32, #tpu.memory_space<vmem>>, vector<16xi32>,
    %add3A_199 = arith.constant 0 : i32
    %add3A_200 = arith.addi %min3A_7, %add3A_199 : i32
    %add3A_201 = arith.constant 16 : i32
    %add3A_202 = arith.addi %add3A_200, %add3A_201 : i32
    %add3A_203 = vector.broadcast %add3A_202 : i32 to vector<16xi32>
    %add3A_204 = arith.addi %add3A_203, %iota3A : vector<16xi32>
    %swap3A_205 = arith.constant 0 : i32
    %swap3A_206 = arith.index_cast %swap3A_205 : i32 to index
    %swap3A_207 = arith.constant 16 : index
    %swap3A_208 = tpu.vector_load %arg29[%swap3A_206, %swap3A_207] {strides = array<i32>} : memref<5x128xi32, #tpu.memory_space<vmem>>, vector<16xi32>,
    tpu.vector_store %arg29[%swap3A_206, %swap3A_207], %add3A_204 {strides = array<i32>} : memref<5x128xi32, #tpu.memory_space<vmem>>, vector<16xi32>,
    %add3A_209 = arith.constant 0 : i32
    %add3A_210 = arith.addi %min3A_7, %add3A_209 : i32
    %add3A_211 = arith.constant 32 : i32
    %add3A_212 = arith.addi %add3A_210, %add3A_211 : i32
    %add3A_213 = vector.broadcast %add3A_212 : i32 to vector<16xi32>
    %add3A_214 = arith.addi %add3A_213, %iota3A : vector<16xi32>
    %swap3A_215 = arith.constant 0 : i32
    %swap3A_216 = arith.index_cast %swap3A_215 : i32 to index
    %swap3A_217 = arith.constant 32 : index
    %swap3A_218 = tpu.vector_load %arg29[%swap3A_216, %swap3A_217] {strides = array<i32>} : memref<5x128xi32, #tpu.memory_space<vmem>>, vector<16xi32>,
    tpu.vector_store %arg29[%swap3A_216, %swap3A_217], %add3A_214 {strides = array<i32>} : memref<5x128xi32, #tpu.memory_space<vmem>>, vector<16xi32>,
    %add3A_219 = arith.constant 0 : i32
    %add3A_220 = arith.addi %min3A_7, %add3A_219 : i32
    %add3A_221 = arith.constant 48 : i32
    %add3A_222 = arith.addi %add3A_220, %add3A_221 : i32
    %add3A_223 = vector.broadcast %add3A_222 : i32 to vector<16xi32>
    %add3A_224 = arith.addi %add3A_223, %iota3A : vector<16xi32>
    %swap3A_225 = arith.constant 0 : i32
    %swap3A_226 = arith.index_cast %swap3A_225 : i32 to index
    %swap3A_227 = arith.constant 48 : index
    %swap3A_228 = tpu.vector_load %arg29[%swap3A_226, %swap3A_227] {strides = array<i32>} : memref<5x128xi32, #tpu.memory_space<vmem>>, vector<16xi32>,
    tpu.vector_store %arg29[%swap3A_226, %swap3A_227], %add3A_224 {strides = array<i32>} : memref<5x128xi32, #tpu.memory_space<vmem>>, vector<16xi32>,
    %add3A_229 = arith.constant 0 : i32
    %add3A_230 = arith.addi %min3A_7, %add3A_229 : i32
    %add3A_231 = arith.constant 64 : i32
    %add3A_232 = arith.addi %add3A_230, %add3A_231 : i32
    %add3A_233 = vector.broadcast %add3A_232 : i32 to vector<16xi32>
    %add3A_234 = arith.addi %add3A_233, %iota3A : vector<16xi32>
    %swap3A_235 = arith.constant 0 : i32
    %swap3A_236 = arith.index_cast %swap3A_235 : i32 to index
    %swap3A_237 = arith.constant 64 : index
    %swap3A_238 = tpu.vector_load %arg29[%swap3A_236, %swap3A_237] {strides = array<i32>} : memref<5x128xi32, #tpu.memory_space<vmem>>, vector<16xi32>,
    tpu.vector_store %arg29[%swap3A_236, %swap3A_237], %add3A_234 {strides = array<i32>} : memref<5x128xi32, #tpu.memory_space<vmem>>, vector<16xi32>,
    %add3A_239 = arith.constant 0 : i32
    %add3A_240 = arith.addi %min3A_7, %add3A_239 : i32
    %add3A_241 = arith.constant 80 : i32
    %add3A_242 = arith.addi %add3A_240, %add3A_241 : i32
    %add3A_243 = vector.broadcast %add3A_242 : i32 to vector<16xi32>
    %add3A_244 = arith.addi %add3A_243, %iota3A : vector<16xi32>
    %swap3A_245 = arith.constant 0 : i32
    %swap3A_246 = arith.index_cast %swap3A_245 : i32 to index
    %swap3A_247 = arith.constant 80 : index
    %swap3A_248 = tpu.vector_load %arg29[%swap3A_246, %swap3A_247] {strides = array<i32>} : memref<5x128xi32, #tpu.memory_space<vmem>>, vector<16xi32>,
    tpu.vector_store %arg29[%swap3A_246, %swap3A_247], %add3A_244 {strides = array<i32>} : memref<5x128xi32, #tpu.memory_space<vmem>>, vector<16xi32>,
    %add3A_249 = arith.constant 0 : i32
    %add3A_250 = arith.addi %min3A_7, %add3A_249 : i32
    %add3A_251 = arith.constant 96 : i32
    %add3A_252 = arith.addi %add3A_250, %add3A_251 : i32
    %add3A_253 = vector.broadcast %add3A_252 : i32 to vector<16xi32>
    %add3A_254 = arith.addi %add3A_253, %iota3A : vector<16xi32>
    %swap3A_255 = arith.constant 0 : i32
    %swap3A_256 = arith.index_cast %swap3A_255 : i32 to index
    %swap3A_257 = arith.constant 96 : index
    %swap3A_258 = tpu.vector_load %arg29[%swap3A_256, %swap3A_257] {strides = array<i32>} : memref<5x128xi32, #tpu.memory_space<vmem>>, vector<16xi32>,
    tpu.vector_store %arg29[%swap3A_256, %swap3A_257], %add3A_254 {strides = array<i32>} : memref<5x128xi32, #tpu.memory_space<vmem>>, vector<16xi32>,
    %add3A_259 = arith.constant 0 : i32
    %add3A_260 = arith.addi %min3A_7, %add3A_259 : i32
    %add3A_261 = arith.constant 112 : i32
    %add3A_262 = arith.addi %add3A_260, %add3A_261 : i32
    %add3A_263 = vector.broadcast %add3A_262 : i32 to vector<16xi32>
    %add3A_264 = arith.addi %add3A_263, %iota3A : vector<16xi32>
    %swap3A_265 = arith.constant 0 : i32
    %swap3A_266 = arith.index_cast %swap3A_265 : i32 to index
    %swap3A_267 = arith.constant 112 : index
    %swap3A_268 = tpu.vector_load %arg29[%swap3A_266, %swap3A_267] {strides = array<i32>} : memref<5x128xi32, #tpu.memory_space<vmem>>, vector<16xi32>,
    tpu.vector_store %arg29[%swap3A_266, %swap3A_267], %add3A_264 {strides = array<i32>} : memref<5x128xi32, #tpu.memory_space<vmem>>, vector<16xi32>,
    %add3A_269 = arith.constant 128 : i32
    %add3A_270 = arith.addi %min3A_7, %add3A_269 : i32
    %add3A_271 = arith.constant 0 : i32
    %add3A_272 = arith.addi %add3A_270, %add3A_271 : i32
    %add3A_273 = vector.broadcast %add3A_272 : i32 to vector<16xi32>
    %add3A_274 = arith.addi %add3A_273, %iota3A : vector<16xi32>
    %swap3A_275 = arith.constant 1 : i32
    %swap3A_276 = arith.index_cast %swap3A_275 : i32 to index
    %swap3A_277 = arith.constant 0 : index
    %swap3A_278 = tpu.vector_load %arg29[%swap3A_276, %swap3A_277] {strides = array<i32>} : memref<5x128xi32, #tpu.memory_space<vmem>>, vector<16xi32>,
    tpu.vector_store %arg29[%swap3A_276, %swap3A_277], %add3A_274 {strides = array<i32>} : memref<5x128xi32, #tpu.memory_space<vmem>>, vector<16xi32>,
    %add3A_279 = arith.constant 128 : i32
    %add3A_280 = arith.addi %min3A_7, %add3A_279 : i32
    %add3A_281 = arith.constant 16 : i32
    %add3A_282 = arith.addi %add3A_280, %add3A_281 : i32
    %add3A_283 = vector.broadcast %add3A_282 : i32 to vector<16xi32>
    %add3A_284 = arith.addi %add3A_283, %iota3A : vector<16xi32>
    %swap3A_285 = arith.constant 1 : i32
    %swap3A_286 = arith.index_cast %swap3A_285 : i32 to index
    %swap3A_287 = arith.constant 16 : index
    %swap3A_288 = tpu.vector_load %arg29[%swap3A_286, %swap3A_287] {strides = array<i32>} : memref<5x128xi32, #tpu.memory_space<vmem>>, vector<16xi32>,
    tpu.vector_store %arg29[%swap3A_286, %swap3A_287], %add3A_284 {strides = array<i32>} : memref<5x128xi32, #tpu.memory_space<vmem>>, vector<16xi32>,
    %add3A_289 = arith.constant 128 : i32
    %add3A_290 = arith.addi %min3A_7, %add3A_289 : i32
    %add3A_291 = arith.constant 32 : i32
    %add3A_292 = arith.addi %add3A_290, %add3A_291 : i32
    %add3A_293 = vector.broadcast %add3A_292 : i32 to vector<16xi32>
    %add3A_294 = arith.addi %add3A_293, %iota3A : vector<16xi32>
    %swap3A_295 = arith.constant 1 : i32
    %swap3A_296 = arith.index_cast %swap3A_295 : i32 to index
    %swap3A_297 = arith.constant 32 : index
    %swap3A_298 = tpu.vector_load %arg29[%swap3A_296, %swap3A_297] {strides = array<i32>} : memref<5x128xi32, #tpu.memory_space<vmem>>, vector<16xi32>,
    tpu.vector_store %arg29[%swap3A_296, %swap3A_297], %add3A_294 {strides = array<i32>} : memref<5x128xi32, #tpu.memory_space<vmem>>, vector<16xi32>,
    %add3A_299 = arith.constant 128 : i32
    %add3A_300 = arith.addi %min3A_7, %add3A_299 : i32
    %add3A_301 = arith.constant 48 : i32
    %add3A_302 = arith.addi %add3A_300, %add3A_301 : i32
    %add3A_303 = vector.broadcast %add3A_302 : i32 to vector<16xi32>
    %add3A_304 = arith.addi %add3A_303, %iota3A : vector<16xi32>
    %swap3A_305 = arith.constant 1 : i32
    %swap3A_306 = arith.index_cast %swap3A_305 : i32 to index
    %swap3A_307 = arith.constant 48 : index
    %swap3A_308 = tpu.vector_load %arg29[%swap3A_306, %swap3A_307] {strides = array<i32>} : memref<5x128xi32, #tpu.memory_space<vmem>>, vector<16xi32>,
    tpu.vector_store %arg29[%swap3A_306, %swap3A_307], %add3A_304 {strides = array<i32>} : memref<5x128xi32, #tpu.memory_space<vmem>>, vector<16xi32>,
    %add3A_309 = arith.constant 128 : i32
    %add3A_310 = arith.addi %min3A_7, %add3A_309 : i32
    %add3A_311 = arith.constant 64 : i32
    %add3A_312 = arith.addi %add3A_310, %add3A_311 : i32
    %add3A_313 = vector.broadcast %add3A_312 : i32 to vector<16xi32>
    %add3A_314 = arith.addi %add3A_313, %iota3A : vector<16xi32>
    %swap3A_315 = arith.constant 1 : i32
    %swap3A_316 = arith.index_cast %swap3A_315 : i32 to index
    %swap3A_317 = arith.constant 64 : index
    %swap3A_318 = tpu.vector_load %arg29[%swap3A_316, %swap3A_317] {strides = array<i32>} : memref<5x128xi32, #tpu.memory_space<vmem>>, vector<16xi32>,
    tpu.vector_store %arg29[%swap3A_316, %swap3A_317], %add3A_314 {strides = array<i32>} : memref<5x128xi32, #tpu.memory_space<vmem>>, vector<16xi32>,
    %add3A_319 = arith.constant 128 : i32
    %add3A_320 = arith.addi %min3A_7, %add3A_319 : i32
    %add3A_321 = arith.constant 80 : i32
    %add3A_322 = arith.addi %add3A_320, %add3A_321 : i32
    %add3A_323 = vector.broadcast %add3A_322 : i32 to vector<16xi32>
    %add3A_324 = arith.addi %add3A_323, %iota3A : vector<16xi32>
    %swap3A_325 = arith.constant 1 : i32
    %swap3A_326 = arith.index_cast %swap3A_325 : i32 to index
    %swap3A_327 = arith.constant 80 : index
    %swap3A_328 = tpu.vector_load %arg29[%swap3A_326, %swap3A_327] {strides = array<i32>} : memref<5x128xi32, #tpu.memory_space<vmem>>, vector<16xi32>,
    tpu.vector_store %arg29[%swap3A_326, %swap3A_327], %add3A_324 {strides = array<i32>} : memref<5x128xi32, #tpu.memory_space<vmem>>, vector<16xi32>,
    %add3A_329 = arith.constant 128 : i32
    %add3A_330 = arith.addi %min3A_7, %add3A_329 : i32
    %add3A_331 = arith.constant 96 : i32
    %add3A_332 = arith.addi %add3A_330, %add3A_331 : i32
    %add3A_333 = vector.broadcast %add3A_332 : i32 to vector<16xi32>
    %add3A_334 = arith.addi %add3A_333, %iota3A : vector<16xi32>
    %swap3A_335 = arith.constant 1 : i32
    %swap3A_336 = arith.index_cast %swap3A_335 : i32 to index
    %swap3A_337 = arith.constant 96 : index
    %swap3A_338 = tpu.vector_load %arg29[%swap3A_336, %swap3A_337] {strides = array<i32>} : memref<5x128xi32, #tpu.memory_space<vmem>>, vector<16xi32>,
    tpu.vector_store %arg29[%swap3A_336, %swap3A_337], %add3A_334 {strides = array<i32>} : memref<5x128xi32, #tpu.memory_space<vmem>>, vector<16xi32>,
    %add3A_339 = arith.constant 128 : i32
    %add3A_340 = arith.addi %min3A_7, %add3A_339 : i32
    %add3A_341 = arith.constant 112 : i32
    %add3A_342 = arith.addi %add3A_340, %add3A_341 : i32
    %add3A_343 = vector.broadcast %add3A_342 : i32 to vector<16xi32>
    %add3A_344 = arith.addi %add3A_343, %iota3A : vector<16xi32>
    %swap3A_345 = arith.constant 1 : i32
    %swap3A_346 = arith.index_cast %swap3A_345 : i32 to index
    %swap3A_347 = arith.constant 112 : index
    %swap3A_348 = tpu.vector_load %arg29[%swap3A_346, %swap3A_347] {strides = array<i32>} : memref<5x128xi32, #tpu.memory_space<vmem>>, vector<16xi32>,
    tpu.vector_store %arg29[%swap3A_346, %swap3A_347], %add3A_344 {strides = array<i32>} : memref<5x128xi32, #tpu.memory_space<vmem>>, vector<16xi32>,
    %add3A_349 = arith.constant 256 : i32
    %add3A_350 = arith.addi %min3A_7, %add3A_349 : i32
    %add3A_351 = arith.constant 0 : i32
    %add3A_352 = arith.addi %add3A_350, %add3A_351 : i32
    %add3A_353 = vector.broadcast %add3A_352 : i32 to vector<16xi32>
    %add3A_354 = arith.addi %add3A_353, %iota3A : vector<16xi32>
    %swap3A_355 = arith.constant 2 : i32
    %swap3A_356 = arith.index_cast %swap3A_355 : i32 to index
    %swap3A_357 = arith.constant 0 : index
    %swap3A_358 = tpu.vector_load %arg29[%swap3A_356, %swap3A_357] {strides = array<i32>} : memref<5x128xi32, #tpu.memory_space<vmem>>, vector<16xi32>,
    tpu.vector_store %arg29[%swap3A_356, %swap3A_357], %add3A_354 {strides = array<i32>} : memref<5x128xi32, #tpu.memory_space<vmem>>, vector<16xi32>,
    %add3A_359 = arith.constant 256 : i32
    %add3A_360 = arith.addi %min3A_7, %add3A_359 : i32
    %add3A_361 = arith.constant 16 : i32
    %add3A_362 = arith.addi %add3A_360, %add3A_361 : i32
    %add3A_363 = vector.broadcast %add3A_362 : i32 to vector<16xi32>
    %add3A_364 = arith.addi %add3A_363, %iota3A : vector<16xi32>
    %swap3A_365 = arith.constant 2 : i32
    %swap3A_366 = arith.index_cast %swap3A_365 : i32 to index
    %swap3A_367 = arith.constant 16 : index
    %swap3A_368 = tpu.vector_load %arg29[%swap3A_366, %swap3A_367] {strides = array<i32>} : memref<5x128xi32, #tpu.memory_space<vmem>>, vector<16xi32>,
    tpu.vector_store %arg29[%swap3A_366, %swap3A_367], %add3A_364 {strides = array<i32>} : memref<5x128xi32, #tpu.memory_space<vmem>>, vector<16xi32>,
    %add3A_369 = arith.constant 256 : i32
    %add3A_370 = arith.addi %min3A_7, %add3A_369 : i32
    %add3A_371 = arith.constant 32 : i32
    %add3A_372 = arith.addi %add3A_370, %add3A_371 : i32
    %add3A_373 = vector.broadcast %add3A_372 : i32 to vector<16xi32>
    %add3A_374 = arith.addi %add3A_373, %iota3A : vector<16xi32>
    %swap3A_375 = arith.constant 2 : i32
    %swap3A_376 = arith.index_cast %swap3A_375 : i32 to index
    %swap3A_377 = arith.constant 32 : index
    %swap3A_378 = tpu.vector_load %arg29[%swap3A_376, %swap3A_377] {strides = array<i32>} : memref<5x128xi32, #tpu.memory_space<vmem>>, vector<16xi32>,
    tpu.vector_store %arg29[%swap3A_376, %swap3A_377], %add3A_374 {strides = array<i32>} : memref<5x128xi32, #tpu.memory_space<vmem>>, vector<16xi32>,
    %add3A_379 = arith.constant 256 : i32
    %add3A_380 = arith.addi %min3A_7, %add3A_379 : i32
    %add3A_381 = arith.constant 48 : i32
    %add3A_382 = arith.addi %add3A_380, %add3A_381 : i32
    %add3A_383 = vector.broadcast %add3A_382 : i32 to vector<16xi32>
    %add3A_384 = arith.addi %add3A_383, %iota3A : vector<16xi32>
    %swap3A_385 = arith.constant 2 : i32
    %swap3A_386 = arith.index_cast %swap3A_385 : i32 to index
    %swap3A_387 = arith.constant 48 : index
    %swap3A_388 = tpu.vector_load %arg29[%swap3A_386, %swap3A_387] {strides = array<i32>} : memref<5x128xi32, #tpu.memory_space<vmem>>, vector<16xi32>,
    tpu.vector_store %arg29[%swap3A_386, %swap3A_387], %add3A_384 {strides = array<i32>} : memref<5x128xi32, #tpu.memory_space<vmem>>, vector<16xi32>,
    %add3A_389 = arith.constant 256 : i32
    %add3A_390 = arith.addi %min3A_7, %add3A_389 : i32
    %add3A_391 = arith.constant 64 : i32
    %add3A_392 = arith.addi %add3A_390, %add3A_391 : i32
    %add3A_393 = vector.broadcast %add3A_392 : i32 to vector<16xi32>
    %add3A_394 = arith.addi %add3A_393, %iota3A : vector<16xi32>
    %swap3A_395 = arith.constant 2 : i32
    %swap3A_396 = arith.index_cast %swap3A_395 : i32 to index
    %swap3A_397 = arith.constant 64 : index
    %swap3A_398 = tpu.vector_load %arg29[%swap3A_396, %swap3A_397] {strides = array<i32>} : memref<5x128xi32, #tpu.memory_space<vmem>>, vector<16xi32>,
    tpu.vector_store %arg29[%swap3A_396, %swap3A_397], %add3A_394 {strides = array<i32>} : memref<5x128xi32, #tpu.memory_space<vmem>>, vector<16xi32>,
    %add3A_399 = arith.constant 256 : i32
    %add3A_400 = arith.addi %min3A_7, %add3A_399 : i32
    %add3A_401 = arith.constant 80 : i32
    %add3A_402 = arith.addi %add3A_400, %add3A_401 : i32
    %add3A_403 = vector.broadcast %add3A_402 : i32 to vector<16xi32>
    %add3A_404 = arith.addi %add3A_403, %iota3A : vector<16xi32>
    %swap3A_405 = arith.constant 2 : i32
    %swap3A_406 = arith.index_cast %swap3A_405 : i32 to index
    %swap3A_407 = arith.constant 80 : index
    %swap3A_408 = tpu.vector_load %arg29[%swap3A_406, %swap3A_407] {strides = array<i32>} : memref<5x128xi32, #tpu.memory_space<vmem>>, vector<16xi32>,
    tpu.vector_store %arg29[%swap3A_406, %swap3A_407], %add3A_404 {strides = array<i32>} : memref<5x128xi32, #tpu.memory_space<vmem>>, vector<16xi32>,
    %add3A_409 = arith.constant 256 : i32
    %add3A_410 = arith.addi %min3A_7, %add3A_409 : i32
    %add3A_411 = arith.constant 96 : i32
    %add3A_412 = arith.addi %add3A_410, %add3A_411 : i32
    %add3A_413 = vector.broadcast %add3A_412 : i32 to vector<16xi32>
    %add3A_414 = arith.addi %add3A_413, %iota3A : vector<16xi32>
    %swap3A_415 = arith.constant 2 : i32
    %swap3A_416 = arith.index_cast %swap3A_415 : i32 to index
    %swap3A_417 = arith.constant 96 : index
    %swap3A_418 = tpu.vector_load %arg29[%swap3A_416, %swap3A_417] {strides = array<i32>} : memref<5x128xi32, #tpu.memory_space<vmem>>, vector<16xi32>,
    tpu.vector_store %arg29[%swap3A_416, %swap3A_417], %add3A_414 {strides = array<i32>} : memref<5x128xi32, #tpu.memory_space<vmem>>, vector<16xi32>,
    %add3A_419 = arith.constant 256 : i32
    %add3A_420 = arith.addi %min3A_7, %add3A_419 : i32
    %add3A_421 = arith.constant 112 : i32
    %add3A_422 = arith.addi %add3A_420, %add3A_421 : i32
    %add3A_423 = vector.broadcast %add3A_422 : i32 to vector<16xi32>
    %add3A_424 = arith.addi %add3A_423, %iota3A : vector<16xi32>
    %swap3A_425 = arith.constant 2 : i32
    %swap3A_426 = arith.index_cast %swap3A_425 : i32 to index
    %swap3A_427 = arith.constant 112 : index
    %swap3A_428 = tpu.vector_load %arg29[%swap3A_426, %swap3A_427] {strides = array<i32>} : memref<5x128xi32, #tpu.memory_space<vmem>>, vector<16xi32>,
    tpu.vector_store %arg29[%swap3A_426, %swap3A_427], %add3A_424 {strides = array<i32>} : memref<5x128xi32, #tpu.memory_space<vmem>>, vector<16xi32>,
    %add3A_429 = arith.constant 384 : i32
    %add3A_430 = arith.addi %min3A_7, %add3A_429 : i32
    %add3A_431 = arith.constant 0 : i32
    %add3A_432 = arith.addi %add3A_430, %add3A_431 : i32
    %add3A_433 = vector.broadcast %add3A_432 : i32 to vector<16xi32>
    %add3A_434 = arith.addi %add3A_433, %iota3A : vector<16xi32>
    %swap3A_435 = arith.constant 3 : i32
    %swap3A_436 = arith.index_cast %swap3A_435 : i32 to index
    %swap3A_437 = arith.constant 0 : index
    %swap3A_438 = tpu.vector_load %arg29[%swap3A_436, %swap3A_437] {strides = array<i32>} : memref<5x128xi32, #tpu.memory_space<vmem>>, vector<16xi32>,
    tpu.vector_store %arg29[%swap3A_436, %swap3A_437], %add3A_434 {strides = array<i32>} : memref<5x128xi32, #tpu.memory_space<vmem>>, vector<16xi32>,
    %add3A_439 = arith.constant 384 : i32
    %add3A_440 = arith.addi %min3A_7, %add3A_439 : i32
    %add3A_441 = arith.constant 16 : i32
    %add3A_442 = arith.addi %add3A_440, %add3A_441 : i32
    %add3A_443 = vector.broadcast %add3A_442 : i32 to vector<16xi32>
    %add3A_444 = arith.addi %add3A_443, %iota3A : vector<16xi32>
    %swap3A_445 = arith.constant 3 : i32
    %swap3A_446 = arith.index_cast %swap3A_445 : i32 to index
    %swap3A_447 = arith.constant 16 : index
    %swap3A_448 = tpu.vector_load %arg29[%swap3A_446, %swap3A_447] {strides = array<i32>} : memref<5x128xi32, #tpu.memory_space<vmem>>, vector<16xi32>,
    tpu.vector_store %arg29[%swap3A_446, %swap3A_447], %add3A_444 {strides = array<i32>} : memref<5x128xi32, #tpu.memory_space<vmem>>, vector<16xi32>,
    %add3A_449 = arith.constant 384 : i32
    %add3A_450 = arith.addi %min3A_7, %add3A_449 : i32
    %add3A_451 = arith.constant 32 : i32
    %add3A_452 = arith.addi %add3A_450, %add3A_451 : i32
    %add3A_453 = vector.broadcast %add3A_452 : i32 to vector<16xi32>
    %add3A_454 = arith.addi %add3A_453, %iota3A : vector<16xi32>
    %swap3A_455 = arith.constant 3 : i32
    %swap3A_456 = arith.index_cast %swap3A_455 : i32 to index
    %swap3A_457 = arith.constant 32 : index
    %swap3A_458 = tpu.vector_load %arg29[%swap3A_456, %swap3A_457] {strides = array<i32>} : memref<5x128xi32, #tpu.memory_space<vmem>>, vector<16xi32>,
    tpu.vector_store %arg29[%swap3A_456, %swap3A_457], %add3A_454 {strides = array<i32>} : memref<5x128xi32, #tpu.memory_space<vmem>>, vector<16xi32>,
    %add3A_459 = arith.constant 384 : i32
    %add3A_460 = arith.addi %min3A_7, %add3A_459 : i32
    %add3A_461 = arith.constant 48 : i32
    %add3A_462 = arith.addi %add3A_460, %add3A_461 : i32
    %add3A_463 = vector.broadcast %add3A_462 : i32 to vector<16xi32>
    %add3A_464 = arith.addi %add3A_463, %iota3A : vector<16xi32>
    %swap3A_465 = arith.constant 3 : i32
    %swap3A_466 = arith.index_cast %swap3A_465 : i32 to index
    %swap3A_467 = arith.constant 48 : index
    %swap3A_468 = tpu.vector_load %arg29[%swap3A_466, %swap3A_467] {strides = array<i32>} : memref<5x128xi32, #tpu.memory_space<vmem>>, vector<16xi32>,
    tpu.vector_store %arg29[%swap3A_466, %swap3A_467], %add3A_464 {strides = array<i32>} : memref<5x128xi32, #tpu.memory_space<vmem>>, vector<16xi32>,
    %add3A_469 = arith.constant 384 : i32
    %add3A_470 = arith.addi %min3A_7, %add3A_469 : i32
    %add3A_471 = arith.constant 64 : i32
    %add3A_472 = arith.addi %add3A_470, %add3A_471 : i32
    %add3A_473 = vector.broadcast %add3A_472 : i32 to vector<16xi32>
    %add3A_474 = arith.addi %add3A_473, %iota3A : vector<16xi32>
    %swap3A_475 = arith.constant 3 : i32
    %swap3A_476 = arith.index_cast %swap3A_475 : i32 to index
    %swap3A_477 = arith.constant 64 : index
    %swap3A_478 = tpu.vector_load %arg29[%swap3A_476, %swap3A_477] {strides = array<i32>} : memref<5x128xi32, #tpu.memory_space<vmem>>, vector<16xi32>,
    tpu.vector_store %arg29[%swap3A_476, %swap3A_477], %add3A_474 {strides = array<i32>} : memref<5x128xi32, #tpu.memory_space<vmem>>, vector<16xi32>,
    %add3A_479 = arith.constant 384 : i32
    %add3A_480 = arith.addi %min3A_7, %add3A_479 : i32
    %add3A_481 = arith.constant 80 : i32
    %add3A_482 = arith.addi %add3A_480, %add3A_481 : i32
    %add3A_483 = vector.broadcast %add3A_482 : i32 to vector<16xi32>
    %add3A_484 = arith.addi %add3A_483, %iota3A : vector<16xi32>
    %swap3A_485 = arith.constant 3 : i32
    %swap3A_486 = arith.index_cast %swap3A_485 : i32 to index
    %swap3A_487 = arith.constant 80 : index
    %swap3A_488 = tpu.vector_load %arg29[%swap3A_486, %swap3A_487] {strides = array<i32>} : memref<5x128xi32, #tpu.memory_space<vmem>>, vector<16xi32>,
    tpu.vector_store %arg29[%swap3A_486, %swap3A_487], %add3A_484 {strides = array<i32>} : memref<5x128xi32, #tpu.memory_space<vmem>>, vector<16xi32>,
    %add3A_489 = arith.constant 384 : i32
    %add3A_490 = arith.addi %min3A_7, %add3A_489 : i32
    %add3A_491 = arith.constant 96 : i32
    %add3A_492 = arith.addi %add3A_490, %add3A_491 : i32
    %add3A_493 = vector.broadcast %add3A_492 : i32 to vector<16xi32>
    %add3A_494 = arith.addi %add3A_493, %iota3A : vector<16xi32>
    %swap3A_495 = arith.constant 3 : i32
    %swap3A_496 = arith.index_cast %swap3A_495 : i32 to index
    %swap3A_497 = arith.constant 96 : index
    %swap3A_498 = tpu.vector_load %arg29[%swap3A_496, %swap3A_497] {strides = array<i32>} : memref<5x128xi32, #tpu.memory_space<vmem>>, vector<16xi32>,
    tpu.vector_store %arg29[%swap3A_496, %swap3A_497], %add3A_494 {strides = array<i32>} : memref<5x128xi32, #tpu.memory_space<vmem>>, vector<16xi32>,
    %add3A_499 = arith.constant 384 : i32
    %add3A_500 = arith.addi %min3A_7, %add3A_499 : i32
    %add3A_501 = arith.constant 112 : i32
    %add3A_502 = arith.addi %add3A_500, %add3A_501 : i32
    %add3A_503 = vector.broadcast %add3A_502 : i32 to vector<16xi32>
    %add3A_504 = arith.addi %add3A_503, %iota3A : vector<16xi32>
    %swap3A_505 = arith.constant 3 : i32
    %swap3A_506 = arith.index_cast %swap3A_505 : i32 to index
    %swap3A_507 = arith.constant 112 : index
    %swap3A_508 = tpu.vector_load %arg29[%swap3A_506, %swap3A_507] {strides = array<i32>} : memref<5x128xi32, #tpu.memory_space<vmem>>, vector<16xi32>,
    tpu.vector_store %arg29[%swap3A_506, %swap3A_507], %add3A_504 {strides = array<i32>} : memref<5x128xi32, #tpu.memory_space<vmem>>, vector<16xi32>,
    %add3A_509 = arith.constant 512 : i32
    %add3A_510 = arith.addi %min3A_7, %add3A_509 : i32
    %add3A_511 = arith.constant 0 : i32
    %add3A_512 = arith.addi %add3A_510, %add3A_511 : i32
    %add3A_513 = vector.broadcast %add3A_512 : i32 to vector<16xi32>
    %add3A_514 = arith.addi %add3A_513, %iota3A : vector<16xi32>
    %swap3A_515 = arith.constant 4 : i32
    %swap3A_516 = arith.index_cast %swap3A_515 : i32 to index
    %swap3A_517 = arith.constant 0 : index
    %swap3A_518 = tpu.vector_load %arg29[%swap3A_516, %swap3A_517] {strides = array<i32>} : memref<5x128xi32, #tpu.memory_space<vmem>>, vector<16xi32>,
    tpu.vector_store %arg29[%swap3A_516, %swap3A_517], %add3A_514 {strides = array<i32>} : memref<5x128xi32, #tpu.memory_space<vmem>>, vector<16xi32>,
    %add3A_519 = arith.constant 512 : i32
    %add3A_520 = arith.addi %min3A_7, %add3A_519 : i32
    %add3A_521 = arith.constant 16 : i32
    %add3A_522 = arith.addi %add3A_520, %add3A_521 : i32
    %add3A_523 = vector.broadcast %add3A_522 : i32 to vector<16xi32>
    %add3A_524 = arith.addi %add3A_523, %iota3A : vector<16xi32>
    %swap3A_525 = arith.constant 4 : i32
    %swap3A_526 = arith.index_cast %swap3A_525 : i32 to index
    %swap3A_527 = arith.constant 16 : index
    %swap3A_528 = tpu.vector_load %arg29[%swap3A_526, %swap3A_527] {strides = array<i32>} : memref<5x128xi32, #tpu.memory_space<vmem>>, vector<16xi32>,
    tpu.vector_store %arg29[%swap3A_526, %swap3A_527], %add3A_524 {strides = array<i32>} : memref<5x128xi32, #tpu.memory_space<vmem>>, vector<16xi32>,
    %add3A_529 = arith.constant 512 : i32
    %add3A_530 = arith.addi %min3A_7, %add3A_529 : i32
    %add3A_531 = arith.constant 32 : i32
    %add3A_532 = arith.addi %add3A_530, %add3A_531 : i32
    %add3A_533 = vector.broadcast %add3A_532 : i32 to vector<16xi32>
    %add3A_534 = arith.addi %add3A_533, %iota3A : vector<16xi32>
    %swap3A_535 = arith.constant 4 : i32
    %swap3A_536 = arith.index_cast %swap3A_535 : i32 to index
    %swap3A_537 = arith.constant 32 : index
    %swap3A_538 = tpu.vector_load %arg29[%swap3A_536, %swap3A_537] {strides = array<i32>} : memref<5x128xi32, #tpu.memory_space<vmem>>, vector<16xi32>,
    tpu.vector_store %arg29[%swap3A_536, %swap3A_537], %add3A_534 {strides = array<i32>} : memref<5x128xi32, #tpu.memory_space<vmem>>, vector<16xi32>,
    %add3A_539 = arith.constant 512 : i32
    %add3A_540 = arith.addi %min3A_7, %add3A_539 : i32
    %add3A_541 = arith.constant 48 : i32
    %add3A_542 = arith.addi %add3A_540, %add3A_541 : i32
    %add3A_543 = vector.broadcast %add3A_542 : i32 to vector<16xi32>
    %add3A_544 = arith.addi %add3A_543, %iota3A : vector<16xi32>
    %swap3A_545 = arith.constant 4 : i32
    %swap3A_546 = arith.index_cast %swap3A_545 : i32 to index
    %swap3A_547 = arith.constant 48 : index
    %swap3A_548 = tpu.vector_load %arg29[%swap3A_546, %swap3A_547] {strides = array<i32>} : memref<5x128xi32, #tpu.memory_space<vmem>>, vector<16xi32>,
    tpu.vector_store %arg29[%swap3A_546, %swap3A_547], %add3A_544 {strides = array<i32>} : memref<5x128xi32, #tpu.memory_space<vmem>>, vector<16xi32>,
    %add3A_549 = arith.constant 512 : i32
    %add3A_550 = arith.addi %min3A_7, %add3A_549 : i32
    %add3A_551 = arith.constant 64 : i32
    %add3A_552 = arith.addi %add3A_550, %add3A_551 : i32
    %add3A_553 = vector.broadcast %add3A_552 : i32 to vector<16xi32>
    %add3A_554 = arith.addi %add3A_553, %iota3A : vector<16xi32>
    %swap3A_555 = arith.constant 4 : i32
    %swap3A_556 = arith.index_cast %swap3A_555 : i32 to index
    %swap3A_557 = arith.constant 64 : index
    %swap3A_558 = tpu.vector_load %arg29[%swap3A_556, %swap3A_557] {strides = array<i32>} : memref<5x128xi32, #tpu.memory_space<vmem>>, vector<16xi32>,
    tpu.vector_store %arg29[%swap3A_556, %swap3A_557], %add3A_554 {strides = array<i32>} : memref<5x128xi32, #tpu.memory_space<vmem>>, vector<16xi32>,
    %add3A_559 = arith.constant 512 : i32
    %add3A_560 = arith.addi %min3A_7, %add3A_559 : i32
    %add3A_561 = arith.constant 80 : i32
    %add3A_562 = arith.addi %add3A_560, %add3A_561 : i32
    %add3A_563 = vector.broadcast %add3A_562 : i32 to vector<16xi32>
    %add3A_564 = arith.addi %add3A_563, %iota3A : vector<16xi32>
    %swap3A_565 = arith.constant 4 : i32
    %swap3A_566 = arith.index_cast %swap3A_565 : i32 to index
    %swap3A_567 = arith.constant 80 : index
    %swap3A_568 = tpu.vector_load %arg29[%swap3A_566, %swap3A_567] {strides = array<i32>} : memref<5x128xi32, #tpu.memory_space<vmem>>, vector<16xi32>,
    tpu.vector_store %arg29[%swap3A_566, %swap3A_567], %add3A_564 {strides = array<i32>} : memref<5x128xi32, #tpu.memory_space<vmem>>, vector<16xi32>,
    %add3A_569 = arith.constant 512 : i32
    %add3A_570 = arith.addi %min3A_7, %add3A_569 : i32
    %add3A_571 = arith.constant 96 : i32
    %add3A_572 = arith.addi %add3A_570, %add3A_571 : i32
    %add3A_573 = vector.broadcast %add3A_572 : i32 to vector<16xi32>
    %add3A_574 = arith.addi %add3A_573, %iota3A : vector<16xi32>
    %swap3A_575 = arith.constant 4 : i32
    %swap3A_576 = arith.index_cast %swap3A_575 : i32 to index
    %swap3A_577 = arith.constant 96 : index
    %swap3A_578 = tpu.vector_load %arg29[%swap3A_576, %swap3A_577] {strides = array<i32>} : memref<5x128xi32, #tpu.memory_space<vmem>>, vector<16xi32>,
    tpu.vector_store %arg29[%swap3A_576, %swap3A_577], %add3A_574 {strides = array<i32>} : memref<5x128xi32, #tpu.memory_space<vmem>>, vector<16xi32>,
    %add3A_579 = arith.constant 512 : i32
    %add3A_580 = arith.addi %min3A_7, %add3A_579 : i32
    %add3A_581 = arith.constant 112 : i32
    %add3A_582 = arith.addi %add3A_580, %add3A_581 : i32
    %add3A_583 = vector.broadcast %add3A_582 : i32 to vector<16xi32>
    %add3A_584 = arith.addi %add3A_583, %iota3A : vector<16xi32>
    %swap3A_585 = arith.constant 4 : i32
    %swap3A_586 = arith.index_cast %swap3A_585 : i32 to index
    %swap3A_587 = arith.constant 112 : index
    %swap3A_588 = tpu.vector_load %arg29[%swap3A_586, %swap3A_587] {strides = array<i32>} : memref<5x128xi32, #tpu.memory_space<vmem>>, vector<16xi32>,
    tpu.vector_store %arg29[%swap3A_586, %swap3A_587], %add3A_584 {strides = array<i32>} : memref<5x128xi32, #tpu.memory_space<vmem>>, vector<16xi32>,
    %add3A_589 = arith.constant 0 : i32
    %add3A_590 = arith.addi %min3A_11, %add3A_589 : i32
    %add3A_591 = vector.broadcast %add3A_590 : i32 to vector<16xi32>
    %add3A_592 = arith.addi %add3A_591, %iota3A : vector<16xi32>
    %swap3A_593 = arith.constant 0 : i32
    %swap3A_594 = arith.index_cast %swap3A_593 : i32 to index
    %swap3A_595 = arith.constant 0 : index
    %swap3A_596 = tpu.vector_load %arg30[%swap3A_594, %swap3A_595] {strides = array<i32>} : memref<1x64xi32, #tpu.memory_space<vmem>>, vector<16xi32>,
    tpu.vector_store %arg30[%swap3A_594, %swap3A_595], %add3A_592 {strides = array<i32>} : memref<1x64xi32, #tpu.memory_space<vmem>>, vector<16xi32>,
    %add3A_597 = arith.constant 16 : i32
    %add3A_598 = arith.addi %min3A_11, %add3A_597 : i32
    %add3A_599 = vector.broadcast %add3A_598 : i32 to vector<16xi32>
    %add3A_600 = arith.addi %add3A_599, %iota3A : vector<16xi32>
    %swap3A_601 = arith.constant 0 : i32
    %swap3A_602 = arith.index_cast %swap3A_601 : i32 to index
    %swap3A_603 = arith.constant 16 : index
    %swap3A_604 = tpu.vector_load %arg30[%swap3A_602, %swap3A_603] {strides = array<i32>} : memref<1x64xi32, #tpu.memory_space<vmem>>, vector<16xi32>,
    tpu.vector_store %arg30[%swap3A_602, %swap3A_603], %add3A_600 {strides = array<i32>} : memref<1x64xi32, #tpu.memory_space<vmem>>, vector<16xi32>,
    %add3A_605 = arith.constant 32 : i32
    %add3A_606 = arith.addi %min3A_11, %add3A_605 : i32
    %add3A_607 = vector.broadcast %add3A_606 : i32 to vector<16xi32>
    %add3A_608 = arith.addi %add3A_607, %iota3A : vector<16xi32>
    %swap3A_609 = arith.constant 0 : i32
    %swap3A_610 = arith.index_cast %swap3A_609 : i32 to index
    %swap3A_611 = arith.constant 32 : index
    %swap3A_612 = tpu.vector_load %arg30[%swap3A_610, %swap3A_611] {strides = array<i32>} : memref<1x64xi32, #tpu.memory_space<vmem>>, vector<16xi32>,
    tpu.vector_store %arg30[%swap3A_610, %swap3A_611], %add3A_608 {strides = array<i32>} : memref<1x64xi32, #tpu.memory_space<vmem>>, vector<16xi32>,
    %add3A_613 = arith.constant 48 : i32
    %add3A_614 = arith.addi %min3A_11, %add3A_613 : i32
    %add3A_615 = vector.broadcast %add3A_614 : i32 to vector<16xi32>
    %add3A_616 = arith.addi %add3A_615, %iota3A : vector<16xi32>
    %swap3A_617 = arith.constant 0 : i32
    %swap3A_618 = arith.index_cast %swap3A_617 : i32 to index
    %swap3A_619 = arith.constant 48 : index
    %swap3A_620 = tpu.vector_load %arg30[%swap3A_618, %swap3A_619] {strides = array<i32>} : memref<1x64xi32, #tpu.memory_space<vmem>>, vector<16xi32>,
    tpu.vector_store %arg30[%swap3A_618, %swap3A_619], %add3A_616 {strides = array<i32>} : memref<1x64xi32, #tpu.memory_space<vmem>>, vector<16xi32>,
    %dma_wait3A = arith.constant 0 : i32
    %dma_wait3A_621 = arith.constant 0 : i32
    %dma_wait3A_622 = tpu.memref_slice %arg27[%dma_wait3A, %dma_wait3A_621] : memref<5x128xi32, #tpu.memory_space<vmem>> -> memref<1x128xi32, #tpu.memory_space<vmem>>
    %dma_wait3A_623 = tpu.memref_squeeze %dma_wait3A_622 : memref<1x128xi32, #tpu.memory_space<vmem>> -> memref<128xi32, #tpu.memory_space<vmem>>
    %dma_wait3A_624 = tpu.memref_slice %arg6[%add3A_13] : memref<10000xi32, #tpu.memory_space<hbm>> -> memref<128xi32, #tpu.memory_space<hbm>>
    %dma_wait3A_625 = arith.constant 0 : i32
    %dma_wait3A_626 = tpu.memref_slice %arg27[%dma_wait3A, %dma_wait3A_625] : memref<5x128xi32, #tpu.memory_space<vmem>> -> memref<1x128xi32, #tpu.memory_space<vmem>>
    %dma_wait3A_627 = tpu.memref_squeeze %dma_wait3A_626 : memref<1x128xi32, #tpu.memory_space<vmem>> -> memref<128xi32, #tpu.memory_space<vmem>>
    %dma_wait3A_628 = tpu.memref_slice %arg6[%add3A_13] : memref<10000xi32, #tpu.memory_space<hbm>> -> memref<128xi32, #tpu.memory_space<hbm>>
    tpu.wait_dma2 semaphore(%arg37 : memref<!tpu.dma_semaphore, #tpu.memory_space<semaphore_mem>>) src(%dma_wait3A_628 : memref<128xi32, #tpu.memory_space<hbm>>) dst(%dma_wait3A_627 : memref<128xi32, #tpu.memory_space<vmem>>)
    %dma_wait3A_629 = arith.constant 1 : i32
    %dma_wait3A_630 = arith.constant 0 : i32
    %dma_wait3A_631 = tpu.memref_slice %arg27[%dma_wait3A_629, %dma_wait3A_630] : memref<5x128xi32, #tpu.memory_space<vmem>> -> memref<1x128xi32, #tpu.memory_space<vmem>>
    %dma_wait3A_632 = tpu.memref_squeeze %dma_wait3A_631 : memref<1x128xi32, #tpu.memory_space<vmem>> -> memref<128xi32, #tpu.memory_space<vmem>>
    %dma_wait3A_633 = tpu.memref_slice %arg6[%add3A_23] : memref<10000xi32, #tpu.memory_space<hbm>> -> memref<128xi32, #tpu.memory_space<hbm>>
    %dma_wait3A_634 = arith.constant 0 : i32
    %dma_wait3A_635 = tpu.memref_slice %arg27[%dma_wait3A_629, %dma_wait3A_634] : memref<5x128xi32, #tpu.memory_space<vmem>> -> memref<1x128xi32, #tpu.memory_space<vmem>>
    %dma_wait3A_636 = tpu.memref_squeeze %dma_wait3A_635 : memref<1x128xi32, #tpu.memory_space<vmem>> -> memref<128xi32, #tpu.memory_space<vmem>>
    %dma_wait3A_637 = tpu.memref_slice %arg6[%add3A_23] : memref<10000xi32, #tpu.memory_space<hbm>> -> memref<128xi32, #tpu.memory_space<hbm>>
    tpu.wait_dma2 semaphore(%arg37 : memref<!tpu.dma_semaphore, #tpu.memory_space<semaphore_mem>>) src(%dma_wait3A_637 : memref<128xi32, #tpu.memory_space<hbm>>) dst(%dma_wait3A_636 : memref<128xi32, #tpu.memory_space<vmem>>)
    %dma_wait3A_638 = arith.constant 2 : i32
    %dma_wait3A_639 = arith.constant 0 : i32
    %dma_wait3A_640 = tpu.memref_slice %arg27[%dma_wait3A_638, %dma_wait3A_639] : memref<5x128xi32, #tpu.memory_space<vmem>> -> memref<1x128xi32, #tpu.memory_space<vmem>>
    %dma_wait3A_641 = tpu.memref_squeeze %dma_wait3A_640 : memref<1x128xi32, #tpu.memory_space<vmem>> -> memref<128xi32, #tpu.memory_space<vmem>>
    %dma_wait3A_642 = tpu.memref_slice %arg6[%add3A_34] : memref<10000xi32, #tpu.memory_space<hbm>> -> memref<128xi32, #tpu.memory_space<hbm>>
    %dma_wait3A_643 = arith.constant 0 : i32
    %dma_wait3A_644 = tpu.memref_slice %arg27[%dma_wait3A_638, %dma_wait3A_643] : memref<5x128xi32, #tpu.memory_space<vmem>> -> memref<1x128xi32, #tpu.memory_space<vmem>>
    %dma_wait3A_645 = tpu.memref_squeeze %dma_wait3A_644 : memref<1x128xi32, #tpu.memory_space<vmem>> -> memref<128xi32, #tpu.memory_space<vmem>>
    %dma_wait3A_646 = tpu.memref_slice %arg6[%add3A_34] : memref<10000xi32, #tpu.memory_space<hbm>> -> memref<128xi32, #tpu.memory_space<hbm>>
    tpu.wait_dma2 semaphore(%arg37 : memref<!tpu.dma_semaphore, #tpu.memory_space<semaphore_mem>>) src(%dma_wait3A_646 : memref<128xi32, #tpu.memory_space<hbm>>) dst(%dma_wait3A_645 : memref<128xi32, #tpu.memory_space<vmem>>)
    %dma_wait3A_647 = arith.constant 3 : i32
    %dma_wait3A_648 = arith.constant 0 : i32
    %dma_wait3A_649 = tpu.memref_slice %arg27[%dma_wait3A_647, %dma_wait3A_648] : memref<5x128xi32, #tpu.memory_space<vmem>> -> memref<1x128xi32, #tpu.memory_space<vmem>>
    %dma_wait3A_650 = tpu.memref_squeeze %dma_wait3A_649 : memref<1x128xi32, #tpu.memory_space<vmem>> -> memref<128xi32, #tpu.memory_space<vmem>>
    %dma_wait3A_651 = tpu.memref_slice %arg6[%add3A_45] : memref<10000xi32, #tpu.memory_space<hbm>> -> memref<128xi32, #tpu.memory_space<hbm>>
    %dma_wait3A_652 = arith.constant 0 : i32
    %dma_wait3A_653 = tpu.memref_slice %arg27[%dma_wait3A_647, %dma_wait3A_652] : memref<5x128xi32, #tpu.memory_space<vmem>> -> memref<1x128xi32, #tpu.memory_space<vmem>>
    %dma_wait3A_654 = tpu.memref_squeeze %dma_wait3A_653 : memref<1x128xi32, #tpu.memory_space<vmem>> -> memref<128xi32, #tpu.memory_space<vmem>>
    %dma_wait3A_655 = tpu.memref_slice %arg6[%add3A_45] : memref<10000xi32, #tpu.memory_space<hbm>> -> memref<128xi32, #tpu.memory_space<hbm>>
    tpu.wait_dma2 semaphore(%arg37 : memref<!tpu.dma_semaphore, #tpu.memory_space<semaphore_mem>>) src(%dma_wait3A_655 : memref<128xi32, #tpu.memory_space<hbm>>) dst(%dma_wait3A_654 : memref<128xi32, #tpu.memory_space<vmem>>)
    %dma_wait3A_656 = arith.constant 4 : i32
    %dma_wait3A_657 = arith.constant 0 : i32
    %dma_wait3A_658 = tpu.memref_slice %arg27[%dma_wait3A_656, %dma_wait3A_657] : memref<5x128xi32, #tpu.memory_space<vmem>> -> memref<1x128xi32, #tpu.memory_space<vmem>>
    %dma_wait3A_659 = tpu.memref_squeeze %dma_wait3A_658 : memref<1x128xi32, #tpu.memory_space<vmem>> -> memref<128xi32, #tpu.memory_space<vmem>>
    %dma_wait3A_660 = tpu.memref_slice %arg6[%add3A_56] : memref<10000xi32, #tpu.memory_space<hbm>> -> memref<128xi32, #tpu.memory_space<hbm>>
    %dma_wait3A_661 = arith.constant 0 : i32
    %dma_wait3A_662 = tpu.memref_slice %arg27[%dma_wait3A_656, %dma_wait3A_661] : memref<5x128xi32, #tpu.memory_space<vmem>> -> memref<1x128xi32, #tpu.memory_space<vmem>>
    %dma_wait3A_663 = tpu.memref_squeeze %dma_wait3A_662 : memref<1x128xi32, #tpu.memory_space<vmem>> -> memref<128xi32, #tpu.memory_space<vmem>>
    %dma_wait3A_664 = tpu.memref_slice %arg6[%add3A_56] : memref<10000xi32, #tpu.memory_space<hbm>> -> memref<128xi32, #tpu.memory_space<hbm>>
    tpu.wait_dma2 semaphore(%arg37 : memref<!tpu.dma_semaphore, #tpu.memory_space<semaphore_mem>>) src(%dma_wait3A_664 : memref<128xi32, #tpu.memory_space<hbm>>) dst(%dma_wait3A_663 : memref<128xi32, #tpu.memory_space<vmem>>)
    %dma_wait3A_665 = arith.constant 0 : i32
    %dma_wait3A_666 = arith.constant 0 : i32
    %dma_wait3A_667 = tpu.memref_slice %arg28[%dma_wait3A_665, %dma_wait3A_666] : memref<1x64xi32, #tpu.memory_space<vmem>> -> memref<1x64xi32, #tpu.memory_space<vmem>>
    %dma_wait3A_668 = tpu.memref_squeeze %dma_wait3A_667 : memref<1x64xi32, #tpu.memory_space<vmem>> -> memref<64xi32, #tpu.memory_space<vmem>>
    %dma_wait3A_669 = tpu.memref_slice %arg7[%min3A_11] : memref<1000xi32, #tpu.memory_space<hbm>> -> memref<64xi32, #tpu.memory_space<hbm>>
    %dma_wait3A_670 = arith.constant 0 : i32
    %dma_wait3A_671 = tpu.memref_slice %arg28[%dma_wait3A_665, %dma_wait3A_670] : memref<1x64xi32, #tpu.memory_space<vmem>> -> memref<1x64xi32, #tpu.memory_space<vmem>>
    %dma_wait3A_672 = tpu.memref_squeeze %dma_wait3A_671 : memref<1x64xi32, #tpu.memory_space<vmem>> -> memref<64xi32, #tpu.memory_space<vmem>>
    %dma_wait3A_673 = tpu.memref_slice %arg7[%min3A_11] : memref<1000xi32, #tpu.memory_space<hbm>> -> memref<64xi32, #tpu.memory_space<hbm>>
    tpu.wait_dma2 semaphore(%arg37 : memref<!tpu.dma_semaphore, #tpu.memory_space<semaphore_mem>>) src(%dma_wait3A_673 : memref<64xi32, #tpu.memory_space<hbm>>) dst(%dma_wait3A_672 : memref<64xi32, #tpu.memory_space<vmem>>)
    %dma_start3A_674 = arith.constant 0 : i32
    %dma_start3A_675 = arith.constant 0 : i32
    %dma_start3A_676 = arith.constant 0 : i32
    %dma_start3A_677 = tpu.memref_slice %arg29[%dma_start3A_674, %dma_start3A_676] : memref<5x128xi32, #tpu.memory_space<vmem>> -> memref<1x128xi32, #tpu.memory_space<vmem>>
    %dma_start3A_678 = tpu.memref_squeeze %dma_start3A_677 : memref<1x128xi32, #tpu.memory_space<vmem>> -> memref<128xi32, #tpu.memory_space<vmem>>
    %dma_start3A_679 = arith.constant 0 : i32
    %dma_start3A_680 = tpu.memref_slice %arg27[%dma_start3A_675, %dma_start3A_679] : memref<5x128xi32, #tpu.memory_space<vmem>> -> memref<1x128xi32, #tpu.memory_space<vmem>>
    %dma_start3A_681 = tpu.memref_squeeze %dma_start3A_680 : memref<1x128xi32, #tpu.memory_space<vmem>> -> memref<128xi32, #tpu.memory_space<vmem>>
    %dma_start3A_682 = arith.constant 0 : i32
    %dma_start3A_683 = tpu.memref_slice %arg33[%dma_start3A_682] : memref<10000xi32, #tpu.memory_space<vmem_shared>> -> memref<10000xi32, #tpu.memory_space<vmem_shared>>
    tpu.enqueue_indirect_dma source(%dma_start3A_678 : memref<128xi32, #tpu.memory_space<vmem>>) target(%dma_start3A_683 : memref<10000xi32, #tpu.memory_space<vmem_shared>>) offsets(%dma_start3A_681 : memref<128xi32, #tpu.memory_space<vmem>>) semaphore(%arg39 : memref<!tpu.dma_semaphore, #tpu.memory_space<semaphore_mem>>)
    %dma_start3A_684 = arith.constant 1 : i32
    %dma_start3A_685 = arith.constant 1 : i32
    %dma_start3A_686 = arith.constant 0 : i32
    %dma_start3A_687 = tpu.memref_slice %arg29[%dma_start3A_684, %dma_start3A_686] : memref<5x128xi32, #tpu.memory_space<vmem>> -> memref<1x128xi32, #tpu.memory_space<vmem>>
    %dma_start3A_688 = tpu.memref_squeeze %dma_start3A_687 : memref<1x128xi32, #tpu.memory_space<vmem>> -> memref<128xi32, #tpu.memory_space<vmem>>
    %dma_start3A_689 = arith.constant 0 : i32
    %dma_start3A_690 = tpu.memref_slice %arg27[%dma_start3A_685, %dma_start3A_689] : memref<5x128xi32, #tpu.memory_space<vmem>> -> memref<1x128xi32, #tpu.memory_space<vmem>>
    %dma_start3A_691 = tpu.memref_squeeze %dma_start3A_690 : memref<1x128xi32, #tpu.memory_space<vmem>> -> memref<128xi32, #tpu.memory_space<vmem>>
    %dma_start3A_692 = arith.constant 0 : i32
    %dma_start3A_693 = tpu.memref_slice %arg33[%dma_start3A_692] : memref<10000xi32, #tpu.memory_space<vmem_shared>> -> memref<10000xi32, #tpu.memory_space<vmem_shared>>
    tpu.enqueue_indirect_dma source(%dma_start3A_688 : memref<128xi32, #tpu.memory_space<vmem>>) target(%dma_start3A_693 : memref<10000xi32, #tpu.memory_space<vmem_shared>>) offsets(%dma_start3A_691 : memref<128xi32, #tpu.memory_space<vmem>>) semaphore(%arg39 : memref<!tpu.dma_semaphore, #tpu.memory_space<semaphore_mem>>)
    %dma_start3A_694 = arith.constant 2 : i32
    %dma_start3A_695 = arith.constant 2 : i32
    %dma_start3A_696 = arith.constant 0 : i32
    %dma_start3A_697 = tpu.memref_slice %arg29[%dma_start3A_694, %dma_start3A_696] : memref<5x128xi32, #tpu.memory_space<vmem>> -> memref<1x128xi32, #tpu.memory_space<vmem>>
    %dma_start3A_698 = tpu.memref_squeeze %dma_start3A_697 : memref<1x128xi32, #tpu.memory_space<vmem>> -> memref<128xi32, #tpu.memory_space<vmem>>
    %dma_start3A_699 = arith.constant 0 : i32
    %dma_start3A_700 = tpu.memref_slice %arg27[%dma_start3A_695, %dma_start3A_699] : memref<5x128xi32, #tpu.memory_space<vmem>> -> memref<1x128xi32, #tpu.memory_space<vmem>>
    %dma_start3A_701 = tpu.memref_squeeze %dma_start3A_700 : memref<1x128xi32, #tpu.memory_space<vmem>> -> memref<128xi32, #tpu.memory_space<vmem>>
    %dma_start3A_702 = arith.constant 0 : i32
    %dma_start3A_703 = tpu.memref_slice %arg33[%dma_start3A_702] : memref<10000xi32, #tpu.memory_space<vmem_shared>> -> memref<10000xi32, #tpu.memory_space<vmem_shared>>
    tpu.enqueue_indirect_dma source(%dma_start3A_698 : memref<128xi32, #tpu.memory_space<vmem>>) target(%dma_start3A_703 : memref<10000xi32, #tpu.memory_space<vmem_shared>>) offsets(%dma_start3A_701 : memref<128xi32, #tpu.memory_space<vmem>>) semaphore(%arg39 : memref<!tpu.dma_semaphore, #tpu.memory_space<semaphore_mem>>)
    %dma_start3A_704 = arith.constant 3 : i32
    %dma_start3A_705 = arith.constant 3 : i32
    %dma_start3A_706 = arith.constant 0 : i32
    %dma_start3A_707 = tpu.memref_slice %arg29[%dma_start3A_704, %dma_start3A_706] : memref<5x128xi32, #tpu.memory_space<vmem>> -> memref<1x128xi32, #tpu.memory_space<vmem>>
    %dma_start3A_708 = tpu.memref_squeeze %dma_start3A_707 : memref<1x128xi32, #tpu.memory_space<vmem>> -> memref<128xi32, #tpu.memory_space<vmem>>
    %dma_start3A_709 = arith.constant 0 : i32
    %dma_start3A_710 = tpu.memref_slice %arg27[%dma_start3A_705, %dma_start3A_709] : memref<5x128xi32, #tpu.memory_space<vmem>> -> memref<1x128xi32, #tpu.memory_space<vmem>>
    %dma_start3A_711 = tpu.memref_squeeze %dma_start3A_710 : memref<1x128xi32, #tpu.memory_space<vmem>> -> memref<128xi32, #tpu.memory_space<vmem>>
    %dma_start3A_712 = arith.constant 0 : i32
    %dma_start3A_713 = tpu.memref_slice %arg33[%dma_start3A_712] : memref<10000xi32, #tpu.memory_space<vmem_shared>> -> memref<10000xi32, #tpu.memory_space<vmem_shared>>
    tpu.enqueue_indirect_dma source(%dma_start3A_708 : memref<128xi32, #tpu.memory_space<vmem>>) target(%dma_start3A_713 : memref<10000xi32, #tpu.memory_space<vmem_shared>>) offsets(%dma_start3A_711 : memref<128xi32, #tpu.memory_space<vmem>>) semaphore(%arg39 : memref<!tpu.dma_semaphore, #tpu.memory_space<semaphore_mem>>)
    %dma_start3A_714 = arith.constant 4 : i32
    %dma_start3A_715 = arith.constant 4 : i32
    %dma_start3A_716 = arith.constant 0 : i32
    %dma_start3A_717 = tpu.memref_slice %arg29[%dma_start3A_714, %dma_start3A_716] : memref<5x128xi32, #tpu.memory_space<vmem>> -> memref<1x128xi32, #tpu.memory_space<vmem>>
    %dma_start3A_718 = tpu.memref_squeeze %dma_start3A_717 : memref<1x128xi32, #tpu.memory_space<vmem>> -> memref<128xi32, #tpu.memory_space<vmem>>
    %dma_start3A_719 = arith.constant 0 : i32
    %dma_start3A_720 = tpu.memref_slice %arg27[%dma_start3A_715, %dma_start3A_719] : memref<5x128xi32, #tpu.memory_space<vmem>> -> memref<1x128xi32, #tpu.memory_space<vmem>>
    %dma_start3A_721 = tpu.memref_squeeze %dma_start3A_720 : memref<1x128xi32, #tpu.memory_space<vmem>> -> memref<128xi32, #tpu.memory_space<vmem>>
    %dma_start3A_722 = arith.constant 0 : i32
    %dma_start3A_723 = tpu.memref_slice %arg33[%dma_start3A_722] : memref<10000xi32, #tpu.memory_space<vmem_shared>> -> memref<10000xi32, #tpu.memory_space<vmem_shared>>
    tpu.enqueue_indirect_dma source(%dma_start3A_718 : memref<128xi32, #tpu.memory_space<vmem>>) target(%dma_start3A_723 : memref<10000xi32, #tpu.memory_space<vmem_shared>>) offsets(%dma_start3A_721 : memref<128xi32, #tpu.memory_space<vmem>>) semaphore(%arg39 : memref<!tpu.dma_semaphore, #tpu.memory_space<semaphore_mem>>)
    %dma_start3A_724 = arith.constant 0 : i32
    %dma_start3A_725 = arith.constant 0 : i32
    %dma_start3A_726 = arith.constant 0 : i32
    %dma_start3A_727 = tpu.memref_slice %arg30[%dma_start3A_724, %dma_start3A_726] : memref<1x64xi32, #tpu.memory_space<vmem>> -> memref<1x64xi32, #tpu.memory_space<vmem>>
    %dma_start3A_728 = tpu.memref_squeeze %dma_start3A_727 : memref<1x64xi32, #tpu.memory_space<vmem>> -> memref<64xi32, #tpu.memory_space<vmem>>
    %dma_start3A_729 = arith.constant 0 : i32
    %dma_start3A_730 = tpu.memref_slice %arg28[%dma_start3A_725, %dma_start3A_729] : memref<1x64xi32, #tpu.memory_space<vmem>> -> memref<1x64xi32, #tpu.memory_space<vmem>>
    %dma_start3A_731 = tpu.memref_squeeze %dma_start3A_730 : memref<1x64xi32, #tpu.memory_space<vmem>> -> memref<64xi32, #tpu.memory_space<vmem>>
    %dma_start3A_732 = arith.constant 0 : i32
    %dma_start3A_733 = tpu.memref_slice %arg34[%dma_start3A_732] : memref<1000xi32, #tpu.memory_space<vmem_shared>> -> memref<1000xi32, #tpu.memory_space<vmem_shared>>
    tpu.enqueue_indirect_dma source(%dma_start3A_728 : memref<64xi32, #tpu.memory_space<vmem>>) target(%dma_start3A_733 : memref<1000xi32, #tpu.memory_space<vmem_shared>>) offsets(%dma_start3A_731 : memref<64xi32, #tpu.memory_space<vmem>>) semaphore(%arg39 : memref<!tpu.dma_semaphore, #tpu.memory_space<semaphore_mem>>)
    %dma_wait3A_734 = arith.constant 0 : i32
    %dma_wait3A_735 = arith.constant 0 : i32
    %dma_wait3A_736 = arith.constant 0 : i32
    %dma_wait3A_737 = tpu.memref_slice %arg29[%dma_wait3A_734, %dma_wait3A_736] : memref<5x128xi32, #tpu.memory_space<vmem>> -> memref<1x128xi32, #tpu.memory_space<vmem>>
    %dma_wait3A_738 = tpu.memref_squeeze %dma_wait3A_737 : memref<1x128xi32, #tpu.memory_space<vmem>> -> memref<128xi32, #tpu.memory_space<vmem>>
    %dma_wait3A_739 = arith.constant 0 : i32
    %dma_wait3A_740 = tpu.memref_slice %arg27[%dma_wait3A_735, %dma_wait3A_739] : memref<5x128xi32, #tpu.memory_space<vmem>> -> memref<1x128xi32, #tpu.memory_space<vmem>>
    %dma_wait3A_741 = tpu.memref_squeeze %dma_wait3A_740 : memref<1x128xi32, #tpu.memory_space<vmem>> -> memref<128xi32, #tpu.memory_space<vmem>>
    %dma_wait3A_742 = arith.constant 0 : i32
    %dma_wait3A_743 = tpu.memref_slice %arg33[%dma_wait3A_742] : memref<10000xi32, #tpu.memory_space<vmem_shared>> -> memref<10000xi32, #tpu.memory_space<vmem_shared>>
    tpu.wait_indirect_dma semaphore(%arg39 : memref<!tpu.dma_semaphore, #tpu.memory_space<semaphore_mem>>) src(%dma_wait3A_738 : memref<128xi32, #tpu.memory_space<vmem>>) dst(%dma_wait3A_743 : memref<10000xi32, #tpu.memory_space<vmem_shared>>)
    %dma_wait3A_744 = arith.constant 1 : i32
    %dma_wait3A_745 = arith.constant 1 : i32
    %dma_wait3A_746 = arith.constant 0 : i32
    %dma_wait3A_747 = tpu.memref_slice %arg29[%dma_wait3A_744, %dma_wait3A_746] : memref<5x128xi32, #tpu.memory_space<vmem>> -> memref<1x128xi32, #tpu.memory_space<vmem>>
    %dma_wait3A_748 = tpu.memref_squeeze %dma_wait3A_747 : memref<1x128xi32, #tpu.memory_space<vmem>> -> memref<128xi32, #tpu.memory_space<vmem>>
    %dma_wait3A_749 = arith.constant 0 : i32
    %dma_wait3A_750 = tpu.memref_slice %arg27[%dma_wait3A_745, %dma_wait3A_749] : memref<5x128xi32, #tpu.memory_space<vmem>> -> memref<1x128xi32, #tpu.memory_space<vmem>>
    %dma_wait3A_751 = tpu.memref_squeeze %dma_wait3A_750 : memref<1x128xi32, #tpu.memory_space<vmem>> -> memref<128xi32, #tpu.memory_space<vmem>>
    %dma_wait3A_752 = arith.constant 0 : i32
    %dma_wait3A_753 = tpu.memref_slice %arg33[%dma_wait3A_752] : memref<10000xi32, #tpu.memory_space<vmem_shared>> -> memref<10000xi32, #tpu.memory_space<vmem_shared>>
    tpu.wait_indirect_dma semaphore(%arg39 : memref<!tpu.dma_semaphore, #tpu.memory_space<semaphore_mem>>) src(%dma_wait3A_748 : memref<128xi32, #tpu.memory_space<vmem>>) dst(%dma_wait3A_753 : memref<10000xi32, #tpu.memory_space<vmem_shared>>)
    %dma_wait3A_754 = arith.constant 2 : i32
    %dma_wait3A_755 = arith.constant 2 : i32
    %dma_wait3A_756 = arith.constant 0 : i32
    %dma_wait3A_757 = tpu.memref_slice %arg29[%dma_wait3A_754, %dma_wait3A_756] : memref<5x128xi32, #tpu.memory_space<vmem>> -> memref<1x128xi32, #tpu.memory_space<vmem>>
    %dma_wait3A_758 = tpu.memref_squeeze %dma_wait3A_757 : memref<1x128xi32, #tpu.memory_space<vmem>> -> memref<128xi32, #tpu.memory_space<vmem>>
    %dma_wait3A_759 = arith.constant 0 : i32
    %dma_wait3A_760 = tpu.memref_slice %arg27[%dma_wait3A_755, %dma_wait3A_759] : memref<5x128xi32, #tpu.memory_space<vmem>> -> memref<1x128xi32, #tpu.memory_space<vmem>>
    %dma_wait3A_761 = tpu.memref_squeeze %dma_wait3A_760 : memref<1x128xi32, #tpu.memory_space<vmem>> -> memref<128xi32, #tpu.memory_space<vmem>>
    %dma_wait3A_762 = arith.constant 0 : i32
    %dma_wait3A_763 = tpu.memref_slice %arg33[%dma_wait3A_762] : memref<10000xi32, #tpu.memory_space<vmem_shared>> -> memref<10000xi32, #tpu.memory_space<vmem_shared>>
    tpu.wait_indirect_dma semaphore(%arg39 : memref<!tpu.dma_semaphore, #tpu.memory_space<semaphore_mem>>) src(%dma_wait3A_758 : memref<128xi32, #tpu.memory_space<vmem>>) dst(%dma_wait3A_763 : memref<10000xi32, #tpu.memory_space<vmem_shared>>)
    %dma_wait3A_764 = arith.constant 3 : i32
    %dma_wait3A_765 = arith.constant 3 : i32
    %dma_wait3A_766 = arith.constant 0 : i32
    %dma_wait3A_767 = tpu.memref_slice %arg29[%dma_wait3A_764, %dma_wait3A_766] : memref<5x128xi32, #tpu.memory_space<vmem>> -> memref<1x128xi32, #tpu.memory_space<vmem>>
    %dma_wait3A_768 = tpu.memref_squeeze %dma_wait3A_767 : memref<1x128xi32, #tpu.memory_space<vmem>> -> memref<128xi32, #tpu.memory_space<vmem>>
    %dma_wait3A_769 = arith.constant 0 : i32
    %dma_wait3A_770 = tpu.memref_slice %arg27[%dma_wait3A_765, %dma_wait3A_769] : memref<5x128xi32, #tpu.memory_space<vmem>> -> memref<1x128xi32, #tpu.memory_space<vmem>>
    %dma_wait3A_771 = tpu.memref_squeeze %dma_wait3A_770 : memref<1x128xi32, #tpu.memory_space<vmem>> -> memref<128xi32, #tpu.memory_space<vmem>>
    %dma_wait3A_772 = arith.constant 0 : i32
    %dma_wait3A_773 = tpu.memref_slice %arg33[%dma_wait3A_772] : memref<10000xi32, #tpu.memory_space<vmem_shared>> -> memref<10000xi32, #tpu.memory_space<vmem_shared>>
    tpu.wait_indirect_dma semaphore(%arg39 : memref<!tpu.dma_semaphore, #tpu.memory_space<semaphore_mem>>) src(%dma_wait3A_768 : memref<128xi32, #tpu.memory_space<vmem>>) dst(%dma_wait3A_773 : memref<10000xi32, #tpu.memory_space<vmem_shared>>)
    %dma_wait3A_774 = arith.constant 4 : i32
    %dma_wait3A_775 = arith.constant 4 : i32
    %dma_wait3A_776 = arith.constant 0 : i32
    %dma_wait3A_777 = tpu.memref_slice %arg29[%dma_wait3A_774, %dma_wait3A_776] : memref<5x128xi32, #tpu.memory_space<vmem>> -> memref<1x128xi32, #tpu.memory_space<vmem>>
    %dma_wait3A_778 = tpu.memref_squeeze %dma_wait3A_777 : memref<1x128xi32, #tpu.memory_space<vmem>> -> memref<128xi32, #tpu.memory_space<vmem>>
    %dma_wait3A_779 = arith.constant 0 : i32
    %dma_wait3A_780 = tpu.memref_slice %arg27[%dma_wait3A_775, %dma_wait3A_779] : memref<5x128xi32, #tpu.memory_space<vmem>> -> memref<1x128xi32, #tpu.memory_space<vmem>>
    %dma_wait3A_781 = tpu.memref_squeeze %dma_wait3A_780 : memref<1x128xi32, #tpu.memory_space<vmem>> -> memref<128xi32, #tpu.memory_space<vmem>>
    %dma_wait3A_782 = arith.constant 0 : i32
    %dma_wait3A_783 = tpu.memref_slice %arg33[%dma_wait3A_782] : memref<10000xi32, #tpu.memory_space<vmem_shared>> -> memref<10000xi32, #tpu.memory_space<vmem_shared>>
    tpu.wait_indirect_dma semaphore(%arg39 : memref<!tpu.dma_semaphore, #tpu.memory_space<semaphore_mem>>) src(%dma_wait3A_778 : memref<128xi32, #tpu.memory_space<vmem>>) dst(%dma_wait3A_783 : memref<10000xi32, #tpu.memory_space<vmem_shared>>)
    %dma_wait3A_784 = arith.constant 0 : i32
    %dma_wait3A_785 = arith.constant 0 : i32
    %dma_wait3A_786 = arith.constant 0 : i32
    %dma_wait3A_787 = tpu.memref_slice %arg30[%dma_wait3A_784, %dma_wait3A_786] : memref<1x64xi32, #tpu.memory_space<vmem>> -> memref<1x64xi32, #tpu.memory_space<vmem>>
    %dma_wait3A_788 = tpu.memref_squeeze %dma_wait3A_787 : memref<1x64xi32, #tpu.memory_space<vmem>> -> memref<64xi32, #tpu.memory_space<vmem>>
    %dma_wait3A_789 = arith.constant 0 : i32
    %dma_wait3A_790 = tpu.memref_slice %arg28[%dma_wait3A_785, %dma_wait3A_789] : memref<1x64xi32, #tpu.memory_space<vmem>> -> memref<1x64xi32, #tpu.memory_space<vmem>>
    %dma_wait3A_791 = tpu.memref_squeeze %dma_wait3A_790 : memref<1x64xi32, #tpu.memory_space<vmem>> -> memref<64xi32, #tpu.memory_space<vmem>>
    %dma_wait3A_792 = arith.constant 0 : i32
    %dma_wait3A_793 = tpu.memref_slice %arg34[%dma_wait3A_792] : memref<1000xi32, #tpu.memory_space<vmem_shared>> -> memref<1000xi32, #tpu.memory_space<vmem_shared>>
    tpu.wait_indirect_dma semaphore(%arg39 : memref<!tpu.dma_semaphore, #tpu.memory_space<semaphore_mem>>) src(%dma_wait3A_788 : memref<64xi32, #tpu.memory_space<vmem>>) dst(%dma_wait3A_793 : memref<1000xi32, #tpu.memory_space<vmem_shared>>)
    %barrier3A = arith.constant 0 : index
    tpu.barrier barrier_id(%barrier3A)
    %dma_wait3A_794 = arith.constant 0 : i32
    %dma_wait3A_795 = tpu.memref_slice %arg2[%dma_wait3A_794, %min3A_3] : memref<2x20000xi32, #tpu.memory_space<hbm>> -> memref<1x640xi32, #tpu.memory_space<hbm>>
    %dma_wait3A_796 = tpu.memref_squeeze %dma_wait3A_795 : memref<1x640xi32, #tpu.memory_space<hbm>> -> memref<640xi32, #tpu.memory_space<hbm>>
    %dma_wait3A_797 = tpu.memref_slice %arg2[%dma_wait3A_794, %min3A_3] : memref<2x20000xi32, #tpu.memory_space<hbm>> -> memref<1x640xi32, #tpu.memory_space<hbm>>
    %dma_wait3A_798 = tpu.memref_squeeze %dma_wait3A_797 : memref<1x640xi32, #tpu.memory_space<hbm>> -> memref<640xi32, #tpu.memory_space<hbm>>
    tpu.wait_dma2 semaphore(%arg38 : memref<!tpu.dma_semaphore, #tpu.memory_space<semaphore_mem>>) src(%dma_wait3A_798 : memref<640xi32, #tpu.memory_space<hbm>>) dst(%arg9 : memref<640xi32, #tpu.memory_space<vmem>>)
    %dma_wait3A_799 = arith.constant 1 : i32
    %dma_wait3A_800 = tpu.memref_slice %arg2[%dma_wait3A_799, %min3A_3] : memref<2x20000xi32, #tpu.memory_space<hbm>> -> memref<1x640xi32, #tpu.memory_space<hbm>>
    %dma_wait3A_801 = tpu.memref_squeeze %dma_wait3A_800 : memref<1x640xi32, #tpu.memory_space<hbm>> -> memref<640xi32, #tpu.memory_space<hbm>>
    %dma_wait3A_802 = tpu.memref_slice %arg2[%dma_wait3A_799, %min3A_3] : memref<2x20000xi32, #tpu.memory_space<hbm>> -> memref<1x640xi32, #tpu.memory_space<hbm>>
    %dma_wait3A_803 = tpu.memref_squeeze %dma_wait3A_802 : memref<1x640xi32, #tpu.memory_space<hbm>> -> memref<640xi32, #tpu.memory_space<hbm>>
    tpu.wait_dma2 semaphore(%arg38 : memref<!tpu.dma_semaphore, #tpu.memory_space<semaphore_mem>>) src(%dma_wait3A_803 : memref<640xi32, #tpu.memory_space<hbm>>) dst(%arg10 : memref<640xi32, #tpu.memory_space<vmem>>)
    %dma_start3A_804 = arith.constant 0 : i32
    %dma_start3A_805 = tpu.memref_slice %arg32[%dma_start3A_804] : memref<640xi32, #tpu.memory_space<vmem>> -> memref<128xi32, #tpu.memory_space<vmem>>
    %dma_start3A_806 = arith.constant 0 : i32
    %dma_start3A_807 = tpu.memref_slice %arg9[%dma_start3A_806] : memref<640xi32, #tpu.memory_space<vmem>> -> memref<128xi32, #tpu.memory_space<vmem>>
    %dma_start3A_808 = arith.constant 0 : i32
    %dma_start3A_809 = tpu.memref_slice %arg34[%dma_start3A_808] : memref<1000xi32, #tpu.memory_space<vmem_shared>> -> memref<1000xi32, #tpu.memory_space<vmem_shared>>
    tpu.enqueue_indirect_dma source(%dma_start3A_809 : memref<1000xi32, #tpu.memory_space<vmem_shared>>) target(%dma_start3A_805 : memref<128xi32, #tpu.memory_space<vmem>>) offsets(%dma_start3A_807 : memref<128xi32, #tpu.memory_space<vmem>>) semaphore(%arg40 : memref<!tpu.dma_semaphore, #tpu.memory_space<semaphore_mem>>)
    %dma_start3A_810 = arith.constant 0 : i32
    %dma_start3A_811 = tpu.memref_slice %arg31[%dma_start3A_810] : memref<640xi32, #tpu.memory_space<vmem>> -> memref<128xi32, #tpu.memory_space<vmem>>
    %dma_start3A_812 = arith.constant 0 : i32
    %dma_start3A_813 = tpu.memref_slice %arg10[%dma_start3A_812] : memref<640xi32, #tpu.memory_space<vmem>> -> memref<128xi32, #tpu.memory_space<vmem>>
    %dma_start3A_814 = arith.constant 0 : i32
    %dma_start3A_815 = tpu.memref_slice %arg33[%dma_start3A_814] : memref<10000xi32, #tpu.memory_space<vmem_shared>> -> memref<10000xi32, #tpu.memory_space<vmem_shared>>
    tpu.enqueue_indirect_dma source(%dma_start3A_815 : memref<10000xi32, #tpu.memory_space<vmem_shared>>) target(%dma_start3A_811 : memref<128xi32, #tpu.memory_space<vmem>>) offsets(%dma_start3A_813 : memref<128xi32, #tpu.memory_space<vmem>>) semaphore(%arg40 : memref<!tpu.dma_semaphore, #tpu.memory_space<semaphore_mem>>)
    %dma_start3A_816 = arith.constant 128 : i32
    %dma_start3A_817 = tpu.memref_slice %arg32[%dma_start3A_816] : memref<640xi32, #tpu.memory_space<vmem>> -> memref<128xi32, #tpu.memory_space<vmem>>
    %dma_start3A_818 = arith.constant 128 : i32
    %dma_start3A_819 = tpu.memref_slice %arg9[%dma_start3A_818] : memref<640xi32, #tpu.memory_space<vmem>> -> memref<128xi32, #tpu.memory_space<vmem>>
    %dma_start3A_820 = arith.constant 0 : i32
    %dma_start3A_821 = tpu.memref_slice %arg34[%dma_start3A_820] : memref<1000xi32, #tpu.memory_space<vmem_shared>> -> memref<1000xi32, #tpu.memory_space<vmem_shared>>
    tpu.enqueue_indirect_dma source(%dma_start3A_821 : memref<1000xi32, #tpu.memory_space<vmem_shared>>) target(%dma_start3A_817 : memref<128xi32, #tpu.memory_space<vmem>>) offsets(%dma_start3A_819 : memref<128xi32, #tpu.memory_space<vmem>>) semaphore(%arg40 : memref<!tpu.dma_semaphore, #tpu.memory_space<semaphore_mem>>)
    %dma_start3A_822 = arith.constant 128 : i32
    %dma_start3A_823 = tpu.memref_slice %arg31[%dma_start3A_822] : memref<640xi32, #tpu.memory_space<vmem>> -> memref<128xi32, #tpu.memory_space<vmem>>
    %dma_start3A_824 = arith.constant 128 : i32
    %dma_start3A_825 = tpu.memref_slice %arg10[%dma_start3A_824] : memref<640xi32, #tpu.memory_space<vmem>> -> memref<128xi32, #tpu.memory_space<vmem>>
    %dma_start3A_826 = arith.constant 0 : i32
    %dma_start3A_827 = tpu.memref_slice %arg33[%dma_start3A_826] : memref<10000xi32, #tpu.memory_space<vmem_shared>> -> memref<10000xi32, #tpu.memory_space<vmem_shared>>
    tpu.enqueue_indirect_dma source(%dma_start3A_827 : memref<10000xi32, #tpu.memory_space<vmem_shared>>) target(%dma_start3A_823 : memref<128xi32, #tpu.memory_space<vmem>>) offsets(%dma_start3A_825 : memref<128xi32, #tpu.memory_space<vmem>>) semaphore(%arg40 : memref<!tpu.dma_semaphore, #tpu.memory_space<semaphore_mem>>)
    %dma_start3A_828 = arith.constant 256 : i32
    %dma_start3A_829 = tpu.memref_slice %arg32[%dma_start3A_828] : memref<640xi32, #tpu.memory_space<vmem>> -> memref<128xi32, #tpu.memory_space<vmem>>
    %dma_start3A_830 = arith.constant 256 : i32
    %dma_start3A_831 = tpu.memref_slice %arg9[%dma_start3A_830] : memref<640xi32, #tpu.memory_space<vmem>> -> memref<128xi32, #tpu.memory_space<vmem>>
    %dma_start3A_832 = arith.constant 0 : i32
    %dma_start3A_833 = tpu.memref_slice %arg34[%dma_start3A_832] : memref<1000xi32, #tpu.memory_space<vmem_shared>> -> memref<1000xi32, #tpu.memory_space<vmem_shared>>
    tpu.enqueue_indirect_dma source(%dma_start3A_833 : memref<1000xi32, #tpu.memory_space<vmem_shared>>) target(%dma_start3A_829 : memref<128xi32, #tpu.memory_space<vmem>>) offsets(%dma_start3A_831 : memref<128xi32, #tpu.memory_space<vmem>>) semaphore(%arg40 : memref<!tpu.dma_semaphore, #tpu.memory_space<semaphore_mem>>)
    %dma_start3A_834 = arith.constant 256 : i32
    %dma_start3A_835 = tpu.memref_slice %arg31[%dma_start3A_834] : memref<640xi32, #tpu.memory_space<vmem>> -> memref<128xi32, #tpu.memory_space<vmem>>
    %dma_start3A_836 = arith.constant 256 : i32
    %dma_start3A_837 = tpu.memref_slice %arg10[%dma_start3A_836] : memref<640xi32, #tpu.memory_space<vmem>> -> memref<128xi32, #tpu.memory_space<vmem>>
    %dma_start3A_838 = arith.constant 0 : i32
    %dma_start3A_839 = tpu.memref_slice %arg33[%dma_start3A_838] : memref<10000xi32, #tpu.memory_space<vmem_shared>> -> memref<10000xi32, #tpu.memory_space<vmem_shared>>
    tpu.enqueue_indirect_dma source(%dma_start3A_839 : memref<10000xi32, #tpu.memory_space<vmem_shared>>) target(%dma_start3A_835 : memref<128xi32, #tpu.memory_space<vmem>>) offsets(%dma_start3A_837 : memref<128xi32, #tpu.memory_space<vmem>>) semaphore(%arg40 : memref<!tpu.dma_semaphore, #tpu.memory_space<semaphore_mem>>)
    %dma_start3A_840 = arith.constant 384 : i32
    %dma_start3A_841 = tpu.memref_slice %arg32[%dma_start3A_840] : memref<640xi32, #tpu.memory_space<vmem>> -> memref<128xi32, #tpu.memory_space<vmem>>
    %dma_start3A_842 = arith.constant 384 : i32
    %dma_start3A_843 = tpu.memref_slice %arg9[%dma_start3A_842] : memref<640xi32, #tpu.memory_space<vmem>> -> memref<128xi32, #tpu.memory_space<vmem>>
    %dma_start3A_844 = arith.constant 0 : i32
    %dma_start3A_845 = tpu.memref_slice %arg34[%dma_start3A_844] : memref<1000xi32, #tpu.memory_space<vmem_shared>> -> memref<1000xi32, #tpu.memory_space<vmem_shared>>
    tpu.enqueue_indirect_dma source(%dma_start3A_845 : memref<1000xi32, #tpu.memory_space<vmem_shared>>) target(%dma_start3A_841 : memref<128xi32, #tpu.memory_space<vmem>>) offsets(%dma_start3A_843 : memref<128xi32, #tpu.memory_space<vmem>>) semaphore(%arg40 : memref<!tpu.dma_semaphore, #tpu.memory_space<semaphore_mem>>)
    %dma_start3A_846 = arith.constant 384 : i32
    %dma_start3A_847 = tpu.memref_slice %arg31[%dma_start3A_846] : memref<640xi32, #tpu.memory_space<vmem>> -> memref<128xi32, #tpu.memory_space<vmem>>
    %dma_start3A_848 = arith.constant 384 : i32
    %dma_start3A_849 = tpu.memref_slice %arg10[%dma_start3A_848] : memref<640xi32, #tpu.memory_space<vmem>> -> memref<128xi32, #tpu.memory_space<vmem>>
    %dma_start3A_850 = arith.constant 0 : i32
    %dma_start3A_851 = tpu.memref_slice %arg33[%dma_start3A_850] : memref<10000xi32, #tpu.memory_space<vmem_shared>> -> memref<10000xi32, #tpu.memory_space<vmem_shared>>
    tpu.enqueue_indirect_dma source(%dma_start3A_851 : memref<10000xi32, #tpu.memory_space<vmem_shared>>) target(%dma_start3A_847 : memref<128xi32, #tpu.memory_space<vmem>>) offsets(%dma_start3A_849 : memref<128xi32, #tpu.memory_space<vmem>>) semaphore(%arg40 : memref<!tpu.dma_semaphore, #tpu.memory_space<semaphore_mem>>)
    %dma_start3A_852 = arith.constant 512 : i32
    %dma_start3A_853 = tpu.memref_slice %arg32[%dma_start3A_852] : memref<640xi32, #tpu.memory_space<vmem>> -> memref<128xi32, #tpu.memory_space<vmem>>
    %dma_start3A_854 = arith.constant 512 : i32
    %dma_start3A_855 = tpu.memref_slice %arg9[%dma_start3A_854] : memref<640xi32, #tpu.memory_space<vmem>> -> memref<128xi32, #tpu.memory_space<vmem>>
    %dma_start3A_856 = arith.constant 0 : i32
    %dma_start3A_857 = tpu.memref_slice %arg34[%dma_start3A_856] : memref<1000xi32, #tpu.memory_space<vmem_shared>> -> memref<1000xi32, #tpu.memory_space<vmem_shared>>
    tpu.enqueue_indirect_dma source(%dma_start3A_857 : memref<1000xi32, #tpu.memory_space<vmem_shared>>) target(%dma_start3A_853 : memref<128xi32, #tpu.memory_space<vmem>>) offsets(%dma_start3A_855 : memref<128xi32, #tpu.memory_space<vmem>>) semaphore(%arg40 : memref<!tpu.dma_semaphore, #tpu.memory_space<semaphore_mem>>)
    %dma_start3A_858 = arith.constant 512 : i32
    %dma_start3A_859 = tpu.memref_slice %arg31[%dma_start3A_858] : memref<640xi32, #tpu.memory_space<vmem>> -> memref<128xi32, #tpu.memory_space<vmem>>
    %dma_start3A_860 = arith.constant 512 : i32
    %dma_start3A_861 = tpu.memref_slice %arg10[%dma_start3A_860] : memref<640xi32, #tpu.memory_space<vmem>> -> memref<128xi32, #tpu.memory_space<vmem>>
    %dma_start3A_862 = arith.constant 0 : i32
    %dma_start3A_863 = tpu.memref_slice %arg33[%dma_start3A_862] : memref<10000xi32, #tpu.memory_space<vmem_shared>> -> memref<10000xi32, #tpu.memory_space<vmem_shared>>
    tpu.enqueue_indirect_dma source(%dma_start3A_863 : memref<10000xi32, #tpu.memory_space<vmem_shared>>) target(%dma_start3A_859 : memref<128xi32, #tpu.memory_space<vmem>>) offsets(%dma_start3A_861 : memref<128xi32, #tpu.memory_space<vmem>>) semaphore(%arg40 : memref<!tpu.dma_semaphore, #tpu.memory_space<semaphore_mem>>)
    tpu.wait_dma2 semaphore(%arg38 : memref<!tpu.dma_semaphore, #tpu.memory_space<semaphore_mem>>) src(%arg5 : memref<16xf32, #tpu.memory_space<hbm>>) dst(%arg26 : memref<16xf32, #tpu.memory_space<vmem>>)
    %dma_wait3A_864 = arith.constant 0 : i32
    %dma_wait3A_865 = arith.constant 0 : i32
    %dma_wait3A_866 = tpu.memref_slice %arg3[%dma_wait3A_864, %dma_wait3A_865] : memref<3x10000xf32, #tpu.memory_space<hbm>> -> memref<1x10000xf32, #tpu.memory_space<hbm>>
    %dma_wait3A_867 = tpu.memref_squeeze %dma_wait3A_866 : memref<1x10000xf32, #tpu.memory_space<hbm>> -> memref<10000xf32, #tpu.memory_space<hbm>>
    %dma_wait3A_868 = arith.constant 0 : i32
    %dma_wait3A_869 = tpu.memref_slice %arg3[%dma_wait3A_864, %dma_wait3A_868] : memref<3x10000xf32, #tpu.memory_space<hbm>> -> memref<1x10000xf32, #tpu.memory_space<hbm>>
    %dma_wait3A_870 = tpu.memref_squeeze %dma_wait3A_869 : memref<1x10000xf32, #tpu.memory_space<hbm>> -> memref<10000xf32, #tpu.memory_space<hbm>>
    tpu.wait_dma2 semaphore(%arg38 : memref<!tpu.dma_semaphore, #tpu.memory_space<semaphore_mem>>) src(%dma_wait3A_870 : memref<10000xf32, #tpu.memory_space<hbm>>) dst(%arg11 : memref<10000xf32, #tpu.memory_space<vmem>>)
    %dma_wait3A_871 = arith.constant 1 : i32
    %dma_wait3A_872 = arith.constant 0 : i32
    %dma_wait3A_873 = tpu.memref_slice %arg3[%dma_wait3A_871, %dma_wait3A_872] : memref<3x10000xf32, #tpu.memory_space<hbm>> -> memref<1x10000xf32, #tpu.memory_space<hbm>>
    %dma_wait3A_874 = tpu.memref_squeeze %dma_wait3A_873 : memref<1x10000xf32, #tpu.memory_space<hbm>> -> memref<10000xf32, #tpu.memory_space<hbm>>
    %dma_wait3A_875 = arith.constant 0 : i32
    %dma_wait3A_876 = tpu.memref_slice %arg3[%dma_wait3A_871, %dma_wait3A_875] : memref<3x10000xf32, #tpu.memory_space<hbm>> -> memref<1x10000xf32, #tpu.memory_space<hbm>>
    %dma_wait3A_877 = tpu.memref_squeeze %dma_wait3A_876 : memref<1x10000xf32, #tpu.memory_space<hbm>> -> memref<10000xf32, #tpu.memory_space<hbm>>
    tpu.wait_dma2 semaphore(%arg38 : memref<!tpu.dma_semaphore, #tpu.memory_space<semaphore_mem>>) src(%dma_wait3A_877 : memref<10000xf32, #tpu.memory_space<hbm>>) dst(%arg12 : memref<10000xf32, #tpu.memory_space<vmem>>)
    %dma_wait3A_878 = arith.constant 2 : i32
    %dma_wait3A_879 = arith.constant 0 : i32
    %dma_wait3A_880 = tpu.memref_slice %arg3[%dma_wait3A_878, %dma_wait3A_879] : memref<3x10000xf32, #tpu.memory_space<hbm>> -> memref<1x10000xf32, #tpu.memory_space<hbm>>
    %dma_wait3A_881 = tpu.memref_squeeze %dma_wait3A_880 : memref<1x10000xf32, #tpu.memory_space<hbm>> -> memref<10000xf32, #tpu.memory_space<hbm>>
    %dma_wait3A_882 = arith.constant 0 : i32
    %dma_wait3A_883 = tpu.memref_slice %arg3[%dma_wait3A_878, %dma_wait3A_882] : memref<3x10000xf32, #tpu.memory_space<hbm>> -> memref<1x10000xf32, #tpu.memory_space<hbm>>
    %dma_wait3A_884 = tpu.memref_squeeze %dma_wait3A_883 : memref<1x10000xf32, #tpu.memory_space<hbm>> -> memref<10000xf32, #tpu.memory_space<hbm>>
    tpu.wait_dma2 semaphore(%arg38 : memref<!tpu.dma_semaphore, #tpu.memory_space<semaphore_mem>>) src(%dma_wait3A_884 : memref<10000xf32, #tpu.memory_space<hbm>>) dst(%arg13 : memref<10000xf32, #tpu.memory_space<vmem>>)
    %dma_wait3A_885 = arith.constant 0 : i32
    %dma_wait3A_886 = arith.constant 0 : i32
    %dma_wait3A_887 = tpu.memref_slice %arg4[%dma_wait3A_885, %dma_wait3A_886] : memref<16x1000xf32, #tpu.memory_space<hbm>> -> memref<1x1000xf32, #tpu.memory_space<hbm>>
    %dma_wait3A_888 = tpu.memref_squeeze %dma_wait3A_887 : memref<1x1000xf32, #tpu.memory_space<hbm>> -> memref<1000xf32, #tpu.memory_space<hbm>>
    %dma_wait3A_889 = arith.constant 0 : i32
    %dma_wait3A_890 = tpu.memref_slice %arg4[%dma_wait3A_885, %dma_wait3A_889] : memref<16x1000xf32, #tpu.memory_space<hbm>> -> memref<1x1000xf32, #tpu.memory_space<hbm>>
    %dma_wait3A_891 = tpu.memref_squeeze %dma_wait3A_890 : memref<1x1000xf32, #tpu.memory_space<hbm>> -> memref<1000xf32, #tpu.memory_space<hbm>>
    tpu.wait_dma2 semaphore(%arg38 : memref<!tpu.dma_semaphore, #tpu.memory_space<semaphore_mem>>) src(%dma_wait3A_891 : memref<1000xf32, #tpu.memory_space<hbm>>) dst(%arg14 : memref<1000xf32, #tpu.memory_space<vmem>>)
    %dma_wait3A_892 = arith.constant 1 : i32
    %dma_wait3A_893 = arith.constant 0 : i32
    %dma_wait3A_894 = tpu.memref_slice %arg4[%dma_wait3A_892, %dma_wait3A_893] : memref<16x1000xf32, #tpu.memory_space<hbm>> -> memref<1x1000xf32, #tpu.memory_space<hbm>>
    %dma_wait3A_895 = tpu.memref_squeeze %dma_wait3A_894 : memref<1x1000xf32, #tpu.memory_space<hbm>> -> memref<1000xf32, #tpu.memory_space<hbm>>
    %dma_wait3A_896 = arith.constant 0 : i32
    %dma_wait3A_897 = tpu.memref_slice %arg4[%dma_wait3A_892, %dma_wait3A_896] : memref<16x1000xf32, #tpu.memory_space<hbm>> -> memref<1x1000xf32, #tpu.memory_space<hbm>>
    %dma_wait3A_898 = tpu.memref_squeeze %dma_wait3A_897 : memref<1x1000xf32, #tpu.memory_space<hbm>> -> memref<1000xf32, #tpu.memory_space<hbm>>
    tpu.wait_dma2 semaphore(%arg38 : memref<!tpu.dma_semaphore, #tpu.memory_space<semaphore_mem>>) src(%dma_wait3A_898 : memref<1000xf32, #tpu.memory_space<hbm>>) dst(%arg15 : memref<1000xf32, #tpu.memory_space<vmem>>)
    %dma_wait3A_899 = arith.constant 2 : i32
    %dma_wait3A_900 = arith.constant 0 : i32
    %dma_wait3A_901 = tpu.memref_slice %arg4[%dma_wait3A_899, %dma_wait3A_900] : memref<16x1000xf32, #tpu.memory_space<hbm>> -> memref<1x1000xf32, #tpu.memory_space<hbm>>
    %dma_wait3A_902 = tpu.memref_squeeze %dma_wait3A_901 : memref<1x1000xf32, #tpu.memory_space<hbm>> -> memref<1000xf32, #tpu.memory_space<hbm>>
    %dma_wait3A_903 = arith.constant 0 : i32
    %dma_wait3A_904 = tpu.memref_slice %arg4[%dma_wait3A_899, %dma_wait3A_903] : memref<16x1000xf32, #tpu.memory_space<hbm>> -> memref<1x1000xf32, #tpu.memory_space<hbm>>
    %dma_wait3A_905 = tpu.memref_squeeze %dma_wait3A_904 : memref<1x1000xf32, #tpu.memory_space<hbm>> -> memref<1000xf32, #tpu.memory_space<hbm>>
    tpu.wait_dma2 semaphore(%arg38 : memref<!tpu.dma_semaphore, #tpu.memory_space<semaphore_mem>>) src(%dma_wait3A_905 : memref<1000xf32, #tpu.memory_space<hbm>>) dst(%arg16 : memref<1000xf32, #tpu.memory_space<vmem>>)
    %dma_wait3A_906 = arith.constant 3 : i32
    %dma_wait3A_907 = arith.constant 0 : i32
    %dma_wait3A_908 = tpu.memref_slice %arg4[%dma_wait3A_906, %dma_wait3A_907] : memref<16x1000xf32, #tpu.memory_space<hbm>> -> memref<1x1000xf32, #tpu.memory_space<hbm>>
    %dma_wait3A_909 = tpu.memref_squeeze %dma_wait3A_908 : memref<1x1000xf32, #tpu.memory_space<hbm>> -> memref<1000xf32, #tpu.memory_space<hbm>>
    %dma_wait3A_910 = arith.constant 0 : i32
    %dma_wait3A_911 = tpu.memref_slice %arg4[%dma_wait3A_906, %dma_wait3A_910] : memref<16x1000xf32, #tpu.memory_space<hbm>> -> memref<1x1000xf32, #tpu.memory_space<hbm>>
    %dma_wait3A_912 = tpu.memref_squeeze %dma_wait3A_911 : memref<1x1000xf32, #tpu.memory_space<hbm>> -> memref<1000xf32, #tpu.memory_space<hbm>>
    tpu.wait_dma2 semaphore(%arg38 : memref<!tpu.dma_semaphore, #tpu.memory_space<semaphore_mem>>) src(%dma_wait3A_912 : memref<1000xf32, #tpu.memory_space<hbm>>) dst(%arg17 : memref<1000xf32, #tpu.memory_space<vmem>>)
    %dma_wait3A_913 = arith.constant 4 : i32
    %dma_wait3A_914 = arith.constant 0 : i32
    %dma_wait3A_915 = tpu.memref_slice %arg4[%dma_wait3A_913, %dma_wait3A_914] : memref<16x1000xf32, #tpu.memory_space<hbm>> -> memref<1x1000xf32, #tpu.memory_space<hbm>>
    %dma_wait3A_916 = tpu.memref_squeeze %dma_wait3A_915 : memref<1x1000xf32, #tpu.memory_space<hbm>> -> memref<1000xf32, #tpu.memory_space<hbm>>
    %dma_wait3A_917 = arith.constant 0 : i32
    %dma_wait3A_918 = tpu.memref_slice %arg4[%dma_wait3A_913, %dma_wait3A_917] : memref<16x1000xf32, #tpu.memory_space<hbm>> -> memref<1x1000xf32, #tpu.memory_space<hbm>>
    %dma_wait3A_919 = tpu.memref_squeeze %dma_wait3A_918 : memref<1x1000xf32, #tpu.memory_space<hbm>> -> memref<1000xf32, #tpu.memory_space<hbm>>
    tpu.wait_dma2 semaphore(%arg38 : memref<!tpu.dma_semaphore, #tpu.memory_space<semaphore_mem>>) src(%dma_wait3A_919 : memref<1000xf32, #tpu.memory_space<hbm>>) dst(%arg18 : memref<1000xf32, #tpu.memory_space<vmem>>)
    %dma_wait3A_920 = arith.constant 5 : i32
    %dma_wait3A_921 = arith.constant 0 : i32
    %dma_wait3A_922 = tpu.memref_slice %arg4[%dma_wait3A_920, %dma_wait3A_921] : memref<16x1000xf32, #tpu.memory_space<hbm>> -> memref<1x1000xf32, #tpu.memory_space<hbm>>
    %dma_wait3A_923 = tpu.memref_squeeze %dma_wait3A_922 : memref<1x1000xf32, #tpu.memory_space<hbm>> -> memref<1000xf32, #tpu.memory_space<hbm>>
    %dma_wait3A_924 = arith.constant 0 : i32
    %dma_wait3A_925 = tpu.memref_slice %arg4[%dma_wait3A_920, %dma_wait3A_924] : memref<16x1000xf32, #tpu.memory_space<hbm>> -> memref<1x1000xf32, #tpu.memory_space<hbm>>
    %dma_wait3A_926 = tpu.memref_squeeze %dma_wait3A_925 : memref<1x1000xf32, #tpu.memory_space<hbm>> -> memref<1000xf32, #tpu.memory_space<hbm>>
    tpu.wait_dma2 semaphore(%arg38 : memref<!tpu.dma_semaphore, #tpu.memory_space<semaphore_mem>>) src(%dma_wait3A_926 : memref<1000xf32, #tpu.memory_space<hbm>>) dst(%arg19 : memref<1000xf32, #tpu.memory_space<vmem>>)
    %dma_wait3A_927 = arith.constant 6 : i32
    %dma_wait3A_928 = arith.constant 0 : i32
    %dma_wait3A_929 = tpu.memref_slice %arg4[%dma_wait3A_927, %dma_wait3A_928] : memref<16x1000xf32, #tpu.memory_space<hbm>> -> memref<1x1000xf32, #tpu.memory_space<hbm>>
    %dma_wait3A_930 = tpu.memref_squeeze %dma_wait3A_929 : memref<1x1000xf32, #tpu.memory_space<hbm>> -> memref<1000xf32, #tpu.memory_space<hbm>>
    %dma_wait3A_931 = arith.constant 0 : i32
    %dma_wait3A_932 = tpu.memref_slice %arg4[%dma_wait3A_927, %dma_wait3A_931] : memref<16x1000xf32, #tpu.memory_space<hbm>> -> memref<1x1000xf32, #tpu.memory_space<hbm>>
    %dma_wait3A_933 = tpu.memref_squeeze %dma_wait3A_932 : memref<1x1000xf32, #tpu.memory_space<hbm>> -> memref<1000xf32, #tpu.memory_space<hbm>>
    tpu.wait_dma2 semaphore(%arg38 : memref<!tpu.dma_semaphore, #tpu.memory_space<semaphore_mem>>) src(%dma_wait3A_933 : memref<1000xf32, #tpu.memory_space<hbm>>) dst(%arg20 : memref<1000xf32, #tpu.memory_space<vmem>>)
    %dma_wait3A_934 = arith.constant 7 : i32
    %dma_wait3A_935 = arith.constant 0 : i32
    %dma_wait3A_936 = tpu.memref_slice %arg4[%dma_wait3A_934, %dma_wait3A_935] : memref<16x1000xf32, #tpu.memory_space<hbm>> -> memref<1x1000xf32, #tpu.memory_space<hbm>>
    %dma_wait3A_937 = tpu.memref_squeeze %dma_wait3A_936 : memref<1x1000xf32, #tpu.memory_space<hbm>> -> memref<1000xf32, #tpu.memory_space<hbm>>
    %dma_wait3A_938 = arith.constant 0 : i32
    %dma_wait3A_939 = tpu.memref_slice %arg4[%dma_wait3A_934, %dma_wait3A_938] : memref<16x1000xf32, #tpu.memory_space<hbm>> -> memref<1x1000xf32, #tpu.memory_space<hbm>>
    %dma_wait3A_940 = tpu.memref_squeeze %dma_wait3A_939 : memref<1x1000xf32, #tpu.memory_space<hbm>> -> memref<1000xf32, #tpu.memory_space<hbm>>
    tpu.wait_dma2 semaphore(%arg38 : memref<!tpu.dma_semaphore, #tpu.memory_space<semaphore_mem>>) src(%dma_wait3A_940 : memref<1000xf32, #tpu.memory_space<hbm>>) dst(%arg21 : memref<1000xf32, #tpu.memory_space<vmem>>)
    %dma_wait3A_941 = arith.constant 8 : i32
    %dma_wait3A_942 = arith.constant 0 : i32
    %dma_wait3A_943 = tpu.memref_slice %arg4[%dma_wait3A_941, %dma_wait3A_942] : memref<16x1000xf32, #tpu.memory_space<hbm>> -> memref<1x1000xf32, #tpu.memory_space<hbm>>
    %dma_wait3A_944 = tpu.memref_squeeze %dma_wait3A_943 : memref<1x1000xf32, #tpu.memory_space<hbm>> -> memref<1000xf32, #tpu.memory_space<hbm>>
    %dma_wait3A_945 = arith.constant 0 : i32
    %dma_wait3A_946 = tpu.memref_slice %arg4[%dma_wait3A_941, %dma_wait3A_945] : memref<16x1000xf32, #tpu.memory_space<hbm>> -> memref<1x1000xf32, #tpu.memory_space<hbm>>
    %dma_wait3A_947 = tpu.memref_squeeze %dma_wait3A_946 : memref<1x1000xf32, #tpu.memory_space<hbm>> -> memref<1000xf32, #tpu.memory_space<hbm>>
    tpu.wait_dma2 semaphore(%arg38 : memref<!tpu.dma_semaphore, #tpu.memory_space<semaphore_mem>>) src(%dma_wait3A_947 : memref<1000xf32, #tpu.memory_space<hbm>>) dst(%arg22 : memref<1000xf32, #tpu.memory_space<vmem>>)
    %dma_wait3A_948 = arith.constant 9 : i32
    %dma_wait3A_949 = arith.constant 0 : i32
    %dma_wait3A_950 = tpu.memref_slice %arg4[%dma_wait3A_948, %dma_wait3A_949] : memref<16x1000xf32, #tpu.memory_space<hbm>> -> memref<1x1000xf32, #tpu.memory_space<hbm>>
    %dma_wait3A_951 = tpu.memref_squeeze %dma_wait3A_950 : memref<1x1000xf32, #tpu.memory_space<hbm>> -> memref<1000xf32, #tpu.memory_space<hbm>>
    %dma_wait3A_952 = arith.constant 0 : i32
    %dma_wait3A_953 = tpu.memref_slice %arg4[%dma_wait3A_948, %dma_wait3A_952] : memref<16x1000xf32, #tpu.memory_space<hbm>> -> memref<1x1000xf32, #tpu.memory_space<hbm>>
    %dma_wait3A_954 = tpu.memref_squeeze %dma_wait3A_953 : memref<1x1000xf32, #tpu.memory_space<hbm>> -> memref<1000xf32, #tpu.memory_space<hbm>>
    tpu.wait_dma2 semaphore(%arg38 : memref<!tpu.dma_semaphore, #tpu.memory_space<semaphore_mem>>) src(%dma_wait3A_954 : memref<1000xf32, #tpu.memory_space<hbm>>) dst(%arg23 : memref<1000xf32, #tpu.memory_space<vmem>>)
    %dma_wait3A_955 = arith.constant 10 : i32
    %dma_wait3A_956 = arith.constant 0 : i32
    %dma_wait3A_957 = tpu.memref_slice %arg4[%dma_wait3A_955, %dma_wait3A_956] : memref<16x1000xf32, #tpu.memory_space<hbm>> -> memref<1x1000xf32, #tpu.memory_space<hbm>>
    %dma_wait3A_958 = tpu.memref_squeeze %dma_wait3A_957 : memref<1x1000xf32, #tpu.memory_space<hbm>> -> memref<1000xf32, #tpu.memory_space<hbm>>
    %dma_wait3A_959 = arith.constant 0 : i32
    %dma_wait3A_960 = tpu.memref_slice %arg4[%dma_wait3A_955, %dma_wait3A_959] : memref<16x1000xf32, #tpu.memory_space<hbm>> -> memref<1x1000xf32, #tpu.memory_space<hbm>>
    %dma_wait3A_961 = tpu.memref_squeeze %dma_wait3A_960 : memref<1x1000xf32, #tpu.memory_space<hbm>> -> memref<1000xf32, #tpu.memory_space<hbm>>
    tpu.wait_dma2 semaphore(%arg38 : memref<!tpu.dma_semaphore, #tpu.memory_space<semaphore_mem>>) src(%dma_wait3A_961 : memref<1000xf32, #tpu.memory_space<hbm>>) dst(%arg24 : memref<1000xf32, #tpu.memory_space<vmem>>)
    %dma_wait3A_962 = arith.constant 11 : i32
    %dma_wait3A_963 = arith.constant 0 : i32
    %dma_wait3A_964 = tpu.memref_slice %arg4[%dma_wait3A_962, %dma_wait3A_963] : memref<16x1000xf32, #tpu.memory_space<hbm>> -> memref<1x1000xf32, #tpu.memory_space<hbm>>
    %dma_wait3A_965 = tpu.memref_squeeze %dma_wait3A_964 : memref<1x1000xf32, #tpu.memory_space<hbm>> -> memref<1000xf32, #tpu.memory_space<hbm>>
    %dma_wait3A_966 = arith.constant 0 : i32
    %dma_wait3A_967 = tpu.memref_slice %arg4[%dma_wait3A_962, %dma_wait3A_966] : memref<16x1000xf32, #tpu.memory_space<hbm>> -> memref<1x1000xf32, #tpu.memory_space<hbm>>
    %dma_wait3A_968 = tpu.memref_squeeze %dma_wait3A_967 : memref<1x1000xf32, #tpu.memory_space<hbm>> -> memref<1000xf32, #tpu.memory_space<hbm>>
    tpu.wait_dma2 semaphore(%arg38 : memref<!tpu.dma_semaphore, #tpu.memory_space<semaphore_mem>>) src(%dma_wait3A_968 : memref<1000xf32, #tpu.memory_space<hbm>>) dst(%arg25 : memref<1000xf32, #tpu.memory_space<vmem>>)
    %dma_wait3A_969 = arith.constant 0 : i32
    %dma_wait3A_970 = tpu.memref_slice %arg32[%dma_wait3A_969] : memref<640xi32, #tpu.memory_space<vmem>> -> memref<128xi32, #tpu.memory_space<vmem>>
    %dma_wait3A_971 = arith.constant 0 : i32
    %dma_wait3A_972 = tpu.memref_slice %arg9[%dma_wait3A_971] : memref<640xi32, #tpu.memory_space<vmem>> -> memref<128xi32, #tpu.memory_space<vmem>>
    %dma_wait3A_973 = arith.constant 0 : i32
    %dma_wait3A_974 = tpu.memref_slice %arg34[%dma_wait3A_973] : memref<1000xi32, #tpu.memory_space<vmem_shared>> -> memref<1000xi32, #tpu.memory_space<vmem_shared>>
    tpu.wait_indirect_dma semaphore(%arg40 : memref<!tpu.dma_semaphore, #tpu.memory_space<semaphore_mem>>) src(%dma_wait3A_974 : memref<1000xi32, #tpu.memory_space<vmem_shared>>) dst(%dma_wait3A_970 : memref<128xi32, #tpu.memory_space<vmem>>)
    %dma_wait3A_975 = arith.constant 0 : i32
    %dma_wait3A_976 = tpu.memref_slice %arg31[%dma_wait3A_975] : memref<640xi32, #tpu.memory_space<vmem>> -> memref<128xi32, #tpu.memory_space<vmem>>
    %dma_wait3A_977 = arith.constant 0 : i32
    %dma_wait3A_978 = tpu.memref_slice %arg10[%dma_wait3A_977] : memref<640xi32, #tpu.memory_space<vmem>> -> memref<128xi32, #tpu.memory_space<vmem>>
    %dma_wait3A_979 = arith.constant 0 : i32
    %dma_wait3A_980 = tpu.memref_slice %arg33[%dma_wait3A_979] : memref<10000xi32, #tpu.memory_space<vmem_shared>> -> memref<10000xi32, #tpu.memory_space<vmem_shared>>
    tpu.wait_indirect_dma semaphore(%arg40 : memref<!tpu.dma_semaphore, #tpu.memory_space<semaphore_mem>>) src(%dma_wait3A_980 : memref<10000xi32, #tpu.memory_space<vmem_shared>>) dst(%dma_wait3A_976 : memref<128xi32, #tpu.memory_space<vmem>>)
    %dma_wait3A_981 = arith.constant 128 : i32
    %dma_wait3A_982 = tpu.memref_slice %arg32[%dma_wait3A_981] : memref<640xi32, #tpu.memory_space<vmem>> -> memref<128xi32, #tpu.memory_space<vmem>>
    %dma_wait3A_983 = arith.constant 128 : i32
    %dma_wait3A_984 = tpu.memref_slice %arg9[%dma_wait3A_983] : memref<640xi32, #tpu.memory_space<vmem>> -> memref<128xi32, #tpu.memory_space<vmem>>
    %dma_wait3A_985 = arith.constant 0 : i32
    %dma_wait3A_986 = tpu.memref_slice %arg34[%dma_wait3A_985] : memref<1000xi32, #tpu.memory_space<vmem_shared>> -> memref<1000xi32, #tpu.memory_space<vmem_shared>>
    tpu.wait_indirect_dma semaphore(%arg40 : memref<!tpu.dma_semaphore, #tpu.memory_space<semaphore_mem>>) src(%dma_wait3A_986 : memref<1000xi32, #tpu.memory_space<vmem_shared>>) dst(%dma_wait3A_982 : memref<128xi32, #tpu.memory_space<vmem>>)
    %dma_wait3A_987 = arith.constant 128 : i32
    %dma_wait3A_988 = tpu.memref_slice %arg31[%dma_wait3A_987] : memref<640xi32, #tpu.memory_space<vmem>> -> memref<128xi32, #tpu.memory_space<vmem>>
    %dma_wait3A_989 = arith.constant 128 : i32
    %dma_wait3A_990 = tpu.memref_slice %arg10[%dma_wait3A_989] : memref<640xi32, #tpu.memory_space<vmem>> -> memref<128xi32, #tpu.memory_space<vmem>>
    %dma_wait3A_991 = arith.constant 0 : i32
    %dma_wait3A_992 = tpu.memref_slice %arg33[%dma_wait3A_991] : memref<10000xi32, #tpu.memory_space<vmem_shared>> -> memref<10000xi32, #tpu.memory_space<vmem_shared>>
    tpu.wait_indirect_dma semaphore(%arg40 : memref<!tpu.dma_semaphore, #tpu.memory_space<semaphore_mem>>) src(%dma_wait3A_992 : memref<10000xi32, #tpu.memory_space<vmem_shared>>) dst(%dma_wait3A_988 : memref<128xi32, #tpu.memory_space<vmem>>)
    %dma_wait3A_993 = arith.constant 256 : i32
    %dma_wait3A_994 = tpu.memref_slice %arg32[%dma_wait3A_993] : memref<640xi32, #tpu.memory_space<vmem>> -> memref<128xi32, #tpu.memory_space<vmem>>
    %dma_wait3A_995 = arith.constant 256 : i32
    %dma_wait3A_996 = tpu.memref_slice %arg9[%dma_wait3A_995] : memref<640xi32, #tpu.memory_space<vmem>> -> memref<128xi32, #tpu.memory_space<vmem>>
    %dma_wait3A_997 = arith.constant 0 : i32
    %dma_wait3A_998 = tpu.memref_slice %arg34[%dma_wait3A_997] : memref<1000xi32, #tpu.memory_space<vmem_shared>> -> memref<1000xi32, #tpu.memory_space<vmem_shared>>
    tpu.wait_indirect_dma semaphore(%arg40 : memref<!tpu.dma_semaphore, #tpu.memory_space<semaphore_mem>>) src(%dma_wait3A_998 : memref<1000xi32, #tpu.memory_space<vmem_shared>>) dst(%dma_wait3A_994 : memref<128xi32, #tpu.memory_space<vmem>>)
    %dma_wait3A_999 = arith.constant 256 : i32
    %dma_wait3A_1000 = tpu.memref_slice %arg31[%dma_wait3A_999] : memref<640xi32, #tpu.memory_space<vmem>> -> memref<128xi32, #tpu.memory_space<vmem>>
    %dma_wait3A_1001 = arith.constant 256 : i32
    %dma_wait3A_1002 = tpu.memref_slice %arg10[%dma_wait3A_1001] : memref<640xi32, #tpu.memory_space<vmem>> -> memref<128xi32, #tpu.memory_space<vmem>>
    %dma_wait3A_1003 = arith.constant 0 : i32
    %dma_wait3A_1004 = tpu.memref_slice %arg33[%dma_wait3A_1003] : memref<10000xi32, #tpu.memory_space<vmem_shared>> -> memref<10000xi32, #tpu.memory_space<vmem_shared>>
    tpu.wait_indirect_dma semaphore(%arg40 : memref<!tpu.dma_semaphore, #tpu.memory_space<semaphore_mem>>) src(%dma_wait3A_1004 : memref<10000xi32, #tpu.memory_space<vmem_shared>>) dst(%dma_wait3A_1000 : memref<128xi32, #tpu.memory_space<vmem>>)
    %dma_wait3A_1005 = arith.constant 384 : i32
    %dma_wait3A_1006 = tpu.memref_slice %arg32[%dma_wait3A_1005] : memref<640xi32, #tpu.memory_space<vmem>> -> memref<128xi32, #tpu.memory_space<vmem>>
    %dma_wait3A_1007 = arith.constant 384 : i32
    %dma_wait3A_1008 = tpu.memref_slice %arg9[%dma_wait3A_1007] : memref<640xi32, #tpu.memory_space<vmem>> -> memref<128xi32, #tpu.memory_space<vmem>>
    %dma_wait3A_1009 = arith.constant 0 : i32
    %dma_wait3A_1010 = tpu.memref_slice %arg34[%dma_wait3A_1009] : memref<1000xi32, #tpu.memory_space<vmem_shared>> -> memref<1000xi32, #tpu.memory_space<vmem_shared>>
    tpu.wait_indirect_dma semaphore(%arg40 : memref<!tpu.dma_semaphore, #tpu.memory_space<semaphore_mem>>) src(%dma_wait3A_1010 : memref<1000xi32, #tpu.memory_space<vmem_shared>>) dst(%dma_wait3A_1006 : memref<128xi32, #tpu.memory_space<vmem>>)
    %dma_wait3A_1011 = arith.constant 384 : i32
    %dma_wait3A_1012 = tpu.memref_slice %arg31[%dma_wait3A_1011] : memref<640xi32, #tpu.memory_space<vmem>> -> memref<128xi32, #tpu.memory_space<vmem>>
    %dma_wait3A_1013 = arith.constant 384 : i32
    %dma_wait3A_1014 = tpu.memref_slice %arg10[%dma_wait3A_1013] : memref<640xi32, #tpu.memory_space<vmem>> -> memref<128xi32, #tpu.memory_space<vmem>>
    %dma_wait3A_1015 = arith.constant 0 : i32
    %dma_wait3A_1016 = tpu.memref_slice %arg33[%dma_wait3A_1015] : memref<10000xi32, #tpu.memory_space<vmem_shared>> -> memref<10000xi32, #tpu.memory_space<vmem_shared>>
    tpu.wait_indirect_dma semaphore(%arg40 : memref<!tpu.dma_semaphore, #tpu.memory_space<semaphore_mem>>) src(%dma_wait3A_1016 : memref<10000xi32, #tpu.memory_space<vmem_shared>>) dst(%dma_wait3A_1012 : memref<128xi32, #tpu.memory_space<vmem>>)
    %dma_wait3A_1017 = arith.constant 512 : i32
    %dma_wait3A_1018 = tpu.memref_slice %arg32[%dma_wait3A_1017] : memref<640xi32, #tpu.memory_space<vmem>> -> memref<128xi32, #tpu.memory_space<vmem>>
    %dma_wait3A_1019 = arith.constant 512 : i32
    %dma_wait3A_1020 = tpu.memref_slice %arg9[%dma_wait3A_1019] : memref<640xi32, #tpu.memory_space<vmem>> -> memref<128xi32, #tpu.memory_space<vmem>>
    %dma_wait3A_1021 = arith.constant 0 : i32
    %dma_wait3A_1022 = tpu.memref_slice %arg34[%dma_wait3A_1021] : memref<1000xi32, #tpu.memory_space<vmem_shared>> -> memref<1000xi32, #tpu.memory_space<vmem_shared>>
    tpu.wait_indirect_dma semaphore(%arg40 : memref<!tpu.dma_semaphore, #tpu.memory_space<semaphore_mem>>) src(%dma_wait3A_1022 : memref<1000xi32, #tpu.memory_space<vmem_shared>>) dst(%dma_wait3A_1018 : memref<128xi32, #tpu.memory_space<vmem>>)
    %dma_wait3A_1023 = arith.constant 512 : i32
    %dma_wait3A_1024 = tpu.memref_slice %arg31[%dma_wait3A_1023] : memref<640xi32, #tpu.memory_space<vmem>> -> memref<128xi32, #tpu.memory_space<vmem>>
    %dma_wait3A_1025 = arith.constant 512 : i32
    %dma_wait3A_1026 = tpu.memref_slice %arg10[%dma_wait3A_1025] : memref<640xi32, #tpu.memory_space<vmem>> -> memref<128xi32, #tpu.memory_space<vmem>>
    %dma_wait3A_1027 = arith.constant 0 : i32
    %dma_wait3A_1028 = tpu.memref_slice %arg33[%dma_wait3A_1027] : memref<10000xi32, #tpu.memory_space<vmem_shared>> -> memref<10000xi32, #tpu.memory_space<vmem_shared>>
    tpu.wait_indirect_dma semaphore(%arg40 : memref<!tpu.dma_semaphore, #tpu.memory_space<semaphore_mem>>) src(%dma_wait3A_1028 : memref<10000xi32, #tpu.memory_space<vmem_shared>>) dst(%dma_wait3A_1024 : memref<128xi32, #tpu.memory_space<vmem>>)
    %get3A = arith.constant 0 : index
    %get3A_1029 = tpu.vector_load %arg26[%get3A] {strides = array<i32>} : memref<16xf32, #tpu.memory_space<vmem>>, vector<16xf32>,
    %slice3A = vector.extract_strided_slice %get3A_1029 {offsets = [0], sizes = [1], strides = [1]} : vector<16xf32> to vector<1xf32>
    %squeeze3A = vector.extract %slice3A[0] : f32 from vector<1xf32>
    %slice3A_1030 = vector.extract_strided_slice %get3A_1029 {offsets = [2], sizes = [1], strides = [1]} : vector<16xf32> to vector<1xf32>
    %squeeze3A_1031 = vector.extract %slice3A_1030[0] : f32 from vector<1xf32>
    %slice3A_1032 = vector.extract_strided_slice %get3A_1029 {offsets = [4], sizes = [1], strides = [1]} : vector<16xf32> to vector<1xf32>
    %squeeze3A_1033 = vector.extract %slice3A_1032[0] : f32 from vector<1xf32>
    %slice3A_1034 = vector.extract_strided_slice %get3A_1029 {offsets = [5], sizes = [1], strides = [1]} : vector<16xf32> to vector<1xf32>
    %squeeze3A_1035 = vector.extract %slice3A_1034[0] : f32 from vector<1xf32>
    %parallel_loop3A = arith.constant 0 : i32
    %parallel_loop3A_1036 = arith.constant 40 : i32
    %parallel_loop3A_1037 = arith.constant 1 : i32
    scf.for %parallel_loop3A_1058 = %parallel_loop3A to %parallel_loop3A_1036 step %parallel_loop3A_1037  : i32 {
      %parallel_loop3A_1059 = arith.constant 16 : i32
      %parallel_loop3A_1060 = arith.muli %parallel_loop3A_1058, %parallel_loop3A_1059 : i32
      %parallel_loop3A_1061 = arith.index_cast %parallel_loop3A_1060 : i32 to index
      %parallel_loop3A_1062 = tpu.vector_load %arg32[%parallel_loop3A_1061] {strides = array<i32>} : memref<640xi32, #tpu.memory_space<vmem>>, vector<16xi32>,
      %parallel_loop3A_1063 = arith.index_cast %parallel_loop3A_1060 : i32 to index
      %parallel_loop3A_1064 = tpu.vector_load %arg31[%parallel_loop3A_1063] {strides = array<i32>} : memref<640xi32, #tpu.memory_space<vmem>>, vector<16xi32>,
      %parallel_loop3A_1065 = tpu.vector_load_idx %arg11[%parallel_loop3A_1064] : memref<10000xf32, #tpu.memory_space<vmem>>[vector<16xi32>], vector<16xf32>,
      %parallel_loop3A_1066 = tpu.vector_load_idx %arg12[%parallel_loop3A_1064] : memref<10000xf32, #tpu.memory_space<vmem>>[vector<16xi32>], vector<16xf32>,
      %parallel_loop3A_1067 = tpu.vector_load_idx %arg13[%parallel_loop3A_1064] : memref<10000xf32, #tpu.memory_space<vmem>>[vector<16xi32>], vector<16xf32>,
      %parallel_loop3A_1068 = tpu.vector_load_idx %arg14[%parallel_loop3A_1062] : memref<1000xf32, #tpu.memory_space<vmem>>[vector<16xi32>], vector<16xf32>,
      %parallel_loop3A_1069 = tpu.vector_load_idx %arg15[%parallel_loop3A_1062] : memref<1000xf32, #tpu.memory_space<vmem>>[vector<16xi32>], vector<16xf32>,
      %parallel_loop3A_1070 = tpu.vector_load_idx %arg16[%parallel_loop3A_1062] : memref<1000xf32, #tpu.memory_space<vmem>>[vector<16xi32>], vector<16xf32>,
      %parallel_loop3A_1071 = tpu.vector_load_idx %arg17[%parallel_loop3A_1062] : memref<1000xf32, #tpu.memory_space<vmem>>[vector<16xi32>], vector<16xf32>,
      %parallel_loop3A_1072 = tpu.vector_load_idx %arg18[%parallel_loop3A_1062] : memref<1000xf32, #tpu.memory_space<vmem>>[vector<16xi32>], vector<16xf32>,
      %parallel_loop3A_1073 = tpu.vector_load_idx %arg19[%parallel_loop3A_1062] : memref<1000xf32, #tpu.memory_space<vmem>>[vector<16xi32>], vector<16xf32>,
      %parallel_loop3A_1074 = tpu.vector_load_idx %arg20[%parallel_loop3A_1062] : memref<1000xf32, #tpu.memory_space<vmem>>[vector<16xi32>], vector<16xf32>,
      %parallel_loop3A_1075 = tpu.vector_load_idx %arg21[%parallel_loop3A_1062] : memref<1000xf32, #tpu.memory_space<vmem>>[vector<16xi32>], vector<16xf32>,
      %parallel_loop3A_1076 = tpu.vector_load_idx %arg22[%parallel_loop3A_1062] : memref<1000xf32, #tpu.memory_space<vmem>>[vector<16xi32>], vector<16xf32>,
      %parallel_loop3A_1077 = tpu.vector_load_idx %arg23[%parallel_loop3A_1062] : memref<1000xf32, #tpu.memory_space<vmem>>[vector<16xi32>], vector<16xf32>,
      %parallel_loop3A_1078 = tpu.vector_load_idx %arg24[%parallel_loop3A_1062] : memref<1000xf32, #tpu.memory_space<vmem>>[vector<16xi32>], vector<16xf32>,
      %parallel_loop3A_1079 = tpu.vector_load_idx %arg25[%parallel_loop3A_1062] : memref<1000xf32, #tpu.memory_space<vmem>>[vector<16xi32>], vector<16xf32>,
      %parallel_loop3A_1080 = arith.mulf %parallel_loop3A_1068, %parallel_loop3A_1065 : vector<16xf32>
      %parallel_loop3A_1081 = arith.mulf %parallel_loop3A_1069, %parallel_loop3A_1066 : vector<16xf32>
      %parallel_loop3A_1082 = arith.addf %parallel_loop3A_1080, %parallel_loop3A_1081 : vector<16xf32>
      %parallel_loop3A_1083 = arith.mulf %parallel_loop3A_1070, %parallel_loop3A_1067 : vector<16xf32>
      %parallel_loop3A_1084 = arith.addf %parallel_loop3A_1082, %parallel_loop3A_1083 : vector<16xf32>
      %parallel_loop3A_1085 = arith.addf %parallel_loop3A_1084, %parallel_loop3A_1071 : vector<16xf32>
      %parallel_loop3A_1086 = arith.mulf %parallel_loop3A_1072, %parallel_loop3A_1065 : vector<16xf32>
      %parallel_loop3A_1087 = arith.mulf %parallel_loop3A_1073, %parallel_loop3A_1066 : vector<16xf32>
      %parallel_loop3A_1088 = arith.addf %parallel_loop3A_1086, %parallel_loop3A_1087 : vector<16xf32>
      %parallel_loop3A_1089 = arith.mulf %parallel_loop3A_1074, %parallel_loop3A_1067 : vector<16xf32>
      %parallel_loop3A_1090 = arith.addf %parallel_loop3A_1088, %parallel_loop3A_1089 : vector<16xf32>
      %parallel_loop3A_1091 = arith.addf %parallel_loop3A_1090, %parallel_loop3A_1075 : vector<16xf32>
      %parallel_loop3A_1092 = arith.mulf %parallel_loop3A_1076, %parallel_loop3A_1065 : vector<16xf32>
      %parallel_loop3A_1093 = arith.mulf %parallel_loop3A_1077, %parallel_loop3A_1066 : vector<16xf32>
      %parallel_loop3A_1094 = arith.addf %parallel_loop3A_1092, %parallel_loop3A_1093 : vector<16xf32>
      %parallel_loop3A_1095 = arith.mulf %parallel_loop3A_1078, %parallel_loop3A_1067 : vector<16xf32>
      %parallel_loop3A_1096 = arith.addf %parallel_loop3A_1094, %parallel_loop3A_1095 : vector<16xf32>
      %parallel_loop3A_1097 = arith.addf %parallel_loop3A_1096, %parallel_loop3A_1079 : vector<16xf32>
      %parallel_loop3A_1098 = math.absf %parallel_loop3A_1097 : vector<16xf32>
      %parallel_loop3A_1099 = arith.constant 9.99999993E-9 : f32
      %parallel_loop3A_1100 = vector.broadcast %parallel_loop3A_1099 : f32 to vector<16xf32>
      %parallel_loop3A_1101 = arith.cmpf ogt, %parallel_loop3A_1098, %parallel_loop3A_1100 : vector<16xf32>
      %parallel_loop3A_1102 = arith.constant 1.000000e+00 : f32
      %parallel_loop3A_1103 = vector.broadcast %parallel_loop3A_1102 : f32 to vector<16xf32>
      %parallel_loop3A_1104 = arith.select %parallel_loop3A_1101, %parallel_loop3A_1097, %parallel_loop3A_1103 : vector<16xi1>, vector<16xf32>
      %parallel_loop3A_1105 = arith.constant 1.000000e+00 : f32
      %parallel_loop3A_1106 = vector.broadcast %parallel_loop3A_1105 : f32 to vector<16xf32>
      %parallel_loop3A_1107 = arith.divf %parallel_loop3A_1106, %parallel_loop3A_1104 : vector<16xf32>
      %parallel_loop3A_1108 = arith.constant 1.000000e+00 : f32
      %parallel_loop3A_1109 = vector.broadcast %parallel_loop3A_1108 : f32 to vector<16xf32>
      %parallel_loop3A_1110 = arith.select %parallel_loop3A_1101, %parallel_loop3A_1107, %parallel_loop3A_1109 : vector<16xi1>, vector<16xf32>
      %parallel_loop3A_1111 = arith.mulf %parallel_loop3A_1085, %parallel_loop3A_1110 : vector<16xf32>
      %parallel_loop3A_1112 = vector.broadcast %squeeze3A : f32 to vector<16xf32>
      %parallel_loop3A_1113 = arith.mulf %parallel_loop3A_1112, %parallel_loop3A_1111 : vector<16xf32>
      %parallel_loop3A_1114 = vector.broadcast %squeeze3A_1031 : f32 to vector<16xf32>
      %parallel_loop3A_1115 = arith.addf %parallel_loop3A_1113, %parallel_loop3A_1114 : vector<16xf32>
      %parallel_loop3A_1116 = arith.index_cast %parallel_loop3A_1060 : i32 to index
      %parallel_loop3A_1117 = tpu.vector_load %arg35[%parallel_loop3A_1116] {strides = array<i32>} : memref<640xf32, #tpu.memory_space<vmem>>, vector<16xf32>,
      tpu.vector_store %arg35[%parallel_loop3A_1116], %parallel_loop3A_1115 {strides = array<i32>} : memref<640xf32, #tpu.memory_space<vmem>>, vector<16xf32>,
      %parallel_loop3A_1118 = arith.mulf %parallel_loop3A_1091, %parallel_loop3A_1110 : vector<16xf32>
      %parallel_loop3A_1119 = vector.broadcast %squeeze3A_1033 : f32 to vector<16xf32>
      %parallel_loop3A_1120 = arith.mulf %parallel_loop3A_1119, %parallel_loop3A_1118 : vector<16xf32>
      %parallel_loop3A_1121 = vector.broadcast %squeeze3A_1035 : f32 to vector<16xf32>
      %parallel_loop3A_1122 = arith.addf %parallel_loop3A_1120, %parallel_loop3A_1121 : vector<16xf32>
      %parallel_loop3A_1123 = arith.index_cast %parallel_loop3A_1060 : i32 to index
      %parallel_loop3A_1124 = tpu.vector_load %arg36[%parallel_loop3A_1123] {strides = array<i32>} : memref<640xf32, #tpu.memory_space<vmem>>, vector<16xf32>,
      tpu.vector_store %arg36[%parallel_loop3A_1123], %parallel_loop3A_1122 {strides = array<i32>} : memref<640xf32, #tpu.memory_space<vmem>>, vector<16xf32>,
    } {sc.loop_unroll_factor = 4 : i64, sc.parallel_access}
    %dma_start3A_1038 = arith.constant 0 : i32
    %dma_start3A_1039 = tpu.memref_slice %arg8[%dma_start3A_1038, %min3A_3] : memref<2x20000xf32, #tpu.memory_space<hbm>> -> memref<1x640xf32, #tpu.memory_space<hbm>>
    %dma_start3A_1040 = tpu.memref_squeeze %dma_start3A_1039 : memref<1x640xf32, #tpu.memory_space<hbm>> -> memref<640xf32, #tpu.memory_space<hbm>>
    %dma_start3A_1041 = tpu.memref_slice %arg8[%dma_start3A_1038, %min3A_3] : memref<2x20000xf32, #tpu.memory_space<hbm>> -> memref<1x640xf32, #tpu.memory_space<hbm>>
    %dma_start3A_1042 = tpu.memref_squeeze %dma_start3A_1041 : memref<1x640xf32, #tpu.memory_space<hbm>> -> memref<640xf32, #tpu.memory_space<hbm>>
    tpu.enqueue_dma source(%arg35 : memref<640xf32, #tpu.memory_space<vmem>>) target(%dma_start3A_1042 : memref<640xf32, #tpu.memory_space<hbm>>) target_semaphore(%arg40 : memref<!tpu.dma_semaphore, #tpu.memory_space<semaphore_mem>>)
    %dma_start3A_1043 = arith.constant 1 : i32
    %dma_start3A_1044 = tpu.memref_slice %arg8[%dma_start3A_1043, %min3A_3] : memref<2x20000xf32, #tpu.memory_space<hbm>> -> memref<1x640xf32, #tpu.memory_space<hbm>>
    %dma_start3A_1045 = tpu.memref_squeeze %dma_start3A_1044 : memref<1x640xf32, #tpu.memory_space<hbm>> -> memref<640xf32, #tpu.memory_space<hbm>>
    %dma_start3A_1046 = tpu.memref_slice %arg8[%dma_start3A_1043, %min3A_3] : memref<2x20000xf32, #tpu.memory_space<hbm>> -> memref<1x640xf32, #tpu.memory_space<hbm>>
    %dma_start3A_1047 = tpu.memref_squeeze %dma_start3A_1046 : memref<1x640xf32, #tpu.memory_space<hbm>> -> memref<640xf32, #tpu.memory_space<hbm>>
    tpu.enqueue_dma source(%arg36 : memref<640xf32, #tpu.memory_space<vmem>>) target(%dma_start3A_1047 : memref<640xf32, #tpu.memory_space<hbm>>) target_semaphore(%arg40 : memref<!tpu.dma_semaphore, #tpu.memory_space<semaphore_mem>>)
    %dma_wait3A_1048 = arith.constant 0 : i32
    %dma_wait3A_1049 = tpu.memref_slice %arg8[%dma_wait3A_1048, %min3A_3] : memref<2x20000xf32, #tpu.memory_space<hbm>> -> memref<1x640xf32, #tpu.memory_space<hbm>>
    %dma_wait3A_1050 = tpu.memref_squeeze %dma_wait3A_1049 : memref<1x640xf32, #tpu.memory_space<hbm>> -> memref<640xf32, #tpu.memory_space<hbm>>
    %dma_wait3A_1051 = tpu.memref_slice %arg8[%dma_wait3A_1048, %min3A_3] : memref<2x20000xf32, #tpu.memory_space<hbm>> -> memref<1x640xf32, #tpu.memory_space<hbm>>
    %dma_wait3A_1052 = tpu.memref_squeeze %dma_wait3A_1051 : memref<1x640xf32, #tpu.memory_space<hbm>> -> memref<640xf32, #tpu.memory_space<hbm>>
    tpu.wait_dma2 semaphore(%arg40 : memref<!tpu.dma_semaphore, #tpu.memory_space<semaphore_mem>>) src(%arg35 : memref<640xf32, #tpu.memory_space<vmem>>) dst(%dma_wait3A_1052 : memref<640xf32, #tpu.memory_space<hbm>>)
    %dma_wait3A_1053 = arith.constant 1 : i32
    %dma_wait3A_1054 = tpu.memref_slice %arg8[%dma_wait3A_1053, %min3A_3] : memref<2x20000xf32, #tpu.memory_space<hbm>> -> memref<1x640xf32, #tpu.memory_space<hbm>>
    %dma_wait3A_1055 = tpu.memref_squeeze %dma_wait3A_1054 : memref<1x640xf32, #tpu.memory_space<hbm>> -> memref<640xf32, #tpu.memory_space<hbm>>
    %dma_wait3A_1056 = tpu.memref_slice %arg8[%dma_wait3A_1053, %min3A_3] : memref<2x20000xf32, #tpu.memory_space<hbm>> -> memref<1x640xf32, #tpu.memory_space<hbm>>
    %dma_wait3A_1057 = tpu.memref_squeeze %dma_wait3A_1056 : memref<1x640xf32, #tpu.memory_space<hbm>> -> memref<640xf32, #tpu.memory_space<hbm>>
    tpu.wait_dma2 semaphore(%arg40 : memref<!tpu.dma_semaphore, #tpu.memory_space<semaphore_mem>>) src(%arg36 : memref<640xf32, #tpu.memory_space<vmem>>) dst(%dma_wait3A_1057 : memref<640xf32, #tpu.memory_space<hbm>>)
    return
  }
}

</mosaic_0001>

<sc_bundles>
// kernel: _run.3.cloned.1.call-start
scs
__scs_entry_jumppad:
0x0: {  	(pc) =	sbr.rel $0x88, $3  }
0x1: {  	(tag) =	ssettag $0x0;
	lr =	simm.s32 $0x1  }
0x2: {  	[smem:$0x3F9B] =	sst lr;
	_ =	strace $0xD0000000  }
0x3: {  	_ = 	snop  }
0x4: {  	_ = 	snop  }
0x5: {  	_ = 	snop  }
0x6: {  	_ = 	snop  }
0x7: {  	_ = 	snop  }
__scs_overlays_trampoline_lowered:
0x8: {  	[smem:$0x3FAA] =	sst s0  }
0x9: {  	[smem:$0x3FAB] =	sst s1  }
0xa: {  	[smem:$0x3FAC] =	sst s2  }
0xb: {  	[smem:$0x3FAD] =	sst s3  }
0xc: {  	[smem:$0x3FAE] =	sst s4  }
0xd: {  	[smem:$0x3FAF] =	sst s5  }
0xe: {  	[smem:$0x3FB0] =	sst s6  }
0xf: {  	[smem:$0x3FB1] =	sst s7  }
0x10: {  	[smem:$0x3FB2] =	sst s8  }
0x11: {  	[smem:$0x3FB3] =	sst s9;
	s0 =	simm.s32 @!p0 $0x0  }
0x12: {  	s1 =	sld [smem:$0x3F99];
	s0 =	simm.s32 @p0 $0x1  }
0x13: {  	[smem:$0x3FB4] =	sst s0;
	s0 =	simm.s32 @!p1 $0x0  }
0x14: {  	s2 =	sld [smem:$0x3F98];
	s0 =	simm.s32 @p1 $0x1  }
0x15: {  	[smem:$0x3FB5] =	sst s0;
	s0 =	simm.s32 @!p2 $0x0  }
0x16: {  	s3 =	sld [smem:$0x3FDB];
	s0 =	simm.s32 @p2 $0x1  }
0x17: {  	s4 =	simm.s32 $0x1BF5;
	[smem:$0x3FB7] =	sst s0  }
0x18: {  	s0 =	sld [smem:$0x3F9A];
	_ =	swait.ge [sflag:s4], $0x0  }
0x19: {  	s7 =	sld [smem:$0x3F9B]  }
0x1a: {  	s8 =	sadd.s32 $0xFFFFE003, lr  }
0x1b: {  	s9 =	sadd.s32 $0xFFFFFEF7, lr;
	s5 =	simm.s32 $0xFFFFFFFF;
	p2 =	slt.u32 s8, $0xFFFFF086  }
0x1c: {  	p1 =	slt.u32 s9, $0xF7A;
	s5 =	simm.s32 @!p2 $0x0  }
0x1d: {  	s5 =	simm.s32 @p1 $0x1;
	p0 =	seq.s32 s7, s2  }
0x1e: {  	s7 =	smul.u32 @!p0 $0xF7A, s2;
	p2 =	seq.s32 @!p0 s5, $0x0  }
0x1f: {  	s9 =	smul.u32 $0xF7A, s1;
	s8 =	simm.s32 @!p0 $0x1BF5;
	p2 =	por !p2, p0  }
0x20: {  	[sflag:s8] =	ssyncset.s32 @!p0 $0xFFFFF086;
	s6 =	sadd.s32 @!p0 s3, s7;
	s7 =	simm.s32 @!p0 $0x108  }
0x21: {  	s3 =	sadd.s32 s3, s9;
	s6 =	sadd.s32 @!p0 $0x88, s6;
	s7 =	simm.s32 @p2 $0x1082  }
0x22: {  	[simem:s7], [sflag:s8] =	dma.local @!p0 [hbm:s6], $0xF7A  }
0x23: {  	s9 =	sor.u32 $0xD0000000, s2;
	s6 =	simm.s32 $0x108;
	_ =	swait.ge @!p0 [sflag:s8], $0x0  }
0x24: {  	s3 =	sadd.s32 $0x88, s3;
	s6 =	simm.s32 @!p1 $0x1082;
	[sflag:s4] =	ssyncset.s32 $0xFFFFF086  }
0x25: {  	[simem:s6], [sflag:s4] =	dma.local [hbm:s3], $0xF7A  }
0x26: {  	[smem:$0x3F9B] =	sst s1;
	(tag) =	ssettag s2;
	_ =	strace s9  }
0x27: {  	s1 =	sld [smem:$0x3FAB]  }
0x28: {  	s2 =	sld [smem:$0x3FAC]  }
0x29: {  	s4 =	sld [smem:$0x3FAE]  }
0x2a: {  	p0 =	seq.s32 s5, $0x0;
	s5 =	sld [smem:$0x3FAF]  }
0x2b: {  	s6 =	sld [smem:$0x3FB0]  }
0x2c: {  	s7 =	sld [smem:$0x3FB1]  }
0x2d: {  	s3 =	simm.s32 $0x108;
	s8 =	sld [smem:$0x3FB2]  }
0x2e: {  	s3 =	simm.s32 @!p0 $0x1082;
	s9 =	sld [smem:$0x3FB3]  }
0x2f: {  	lr =	sadd.s32 s0, s3;
	s0 =	sld [smem:$0x3FAA]  }
0x30: {  	s3 =	sld [smem:$0x3FAD]  }
0x31: {  	[smem:$0x3FB6] =	sst s10  }
0x32: {  	s10 =	sld [smem:$0x3FB4];
	_ =	sdelay $0x3  }
0x33: {  	p0 =	seq.s32 s10, $0x1;
	s10 =	sld [smem:$0x3FB6];
	_ =	sdelay $0x3  }
0x34: {  	[smem:$0x3FB6] =	sst s10  }
0x35: {  	s10 =	sld [smem:$0x3FB5];
	_ =	sdelay $0x3  }
0x36: {  	p1 =	seq.s32 s10, $0x1;
	s10 =	sld [smem:$0x3FB6];
	_ =	sdelay $0x3  }
0x37: {  	[smem:$0x3FB6] =	sst s10  }
0x38: {  	s10 =	sld [smem:$0x3FB7]  }
0x39: {  	_ = 	snop;
	(pc) =	sbr.ind lr, $3  }
0x3a: {  	_ = 	snop  }
0x3b: {  	_ = 	snop  }
0x3c: {  	p2 =	seq.s32 s10, $0x1;
	s10 =	sld [smem:$0x3FB6]  }
0x3d: {  	_ =	shalt  }
0x3e: {  	_ =	shalt  }
0x3f: {  	_ =	shalt  }
0x40: {  	_ =	shalt  }
0x41: {  	_ =	shalt  }
0x42: {  	_ =	shalt  }
0x43: {  	_ =	shalt  }
0x44: {  	_ =	shalt  }
0x45: {  	_ =	shalt  }
0x46: {  	_ =	shalt  }
0x47: {  	_ =	shalt  }
0x48: {  	_ =	shalt  }
0x49: {  	_ =	shalt  }
0x4a: {  	_ =	shalt  }
0x4b: {  	_ =	shalt  }
0x4c: {  	_ =	shalt  }
0x4d: {  	_ =	shalt  }
0x4e: {  	_ =	shalt  }
0x4f: {  	_ =	shalt  }
0x50: {  	_ =	shalt  }
0x51: {  	_ =	shalt  }
0x52: {  	_ =	shalt  }
0x53: {  	_ =	shalt  }
0x54: {  	_ =	shalt  }
0x55: {  	_ =	shalt  }
0x56: {  	_ =	shalt  }
0x57: {  	_ =	shalt  }
0x58: {  	_ =	shalt  }
0x59: {  	_ =	shalt  }
0x5a: {  	_ =	shalt  }
0x5b: {  	_ =	shalt  }
0x5c: {  	_ =	shalt  }
0x5d: {  	_ =	shalt  }
0x5e: {  	_ =	shalt  }
0x5f: {  	_ =	shalt  }
0x60: {  	_ =	shalt  }
0x61: {  	_ =	shalt  }
0x62: {  	_ =	shalt  }
0x63: {  	_ =	shalt  }
0x64: {  	_ =	shalt  }
0x65: {  	_ =	shalt  }
0x66: {  	_ =	shalt  }
0x67: {  	_ =	shalt  }
0x68: {  	_ =	shalt  }
0x69: {  	_ =	shalt  }
0x6a: {  	_ =	shalt  }
0x6b: {  	_ =	shalt  }
0x6c: {  	_ =	shalt  }
0x6d: {  	_ =	shalt  }
0x6e: {  	_ =	shalt  }
0x6f: {  	_ =	shalt  }
0x70: {  	_ =	shalt  }
0x71: {  	_ =	shalt  }
0x72: {  	_ =	shalt  }
0x73: {  	_ =	shalt  }
0x74: {  	_ =	shalt  }
0x75: {  	_ =	shalt  }
0x76: {  	_ =	shalt  }
0x77: {  	_ =	shalt  }
0x78: {  	_ =	shalt  }
0x79: {  	_ =	shalt  }
0x7a: {  	_ =	shalt  }
0x7b: {  	_ =	shalt  }
0x7c: {  	_ =	shalt  }
0x7d: {  	_ =	shalt  }
0x7e: {  	_ =	shalt  }
0x7f: {  	_ =	shalt  }
0x80: {  	_ =	shalt  }
0x81: {  	_ =	shalt  }
0x82: {  	_ =	shalt  }
0x83: {  	_ =	shalt  }
0x84: {  	_ =	shalt  }
0x85: {  	_ =	shalt  }
0x86: {  	_ =	shalt  }
0x87: {  	_ =	shalt  }
.Lfunc_end0:
.L_simem_size_0:
called_computation_lowered:
.L_overlay_start_0:
0x88: {  	s2 =	sld [smem:$0x3FD9]  }
0x89: {  	s3 =	sld [smem:$0x3FFE];
	_ =	sdelay $0x1  }
0x8a: {  	s1 =	srdreg.scid  }
0x8b: {  	s0 =	sand.u32 $0x1, s1  }
0x8c: {  	s17 =	sshll.u32 s0, $0xA;
	s2 =	sadd.s32 s3, s2  }
0x8d: {  	s2 =	sadd.s32 s2, s17  }
0x8e: {  	[smem:$0x3FC2] =	sst s2  }
0x8f: {  	_ = 	snop  }
0x90: {  	s2 =	sld [smem:$0x3FC6]  }
0x91: {  	s18 =	sld [smem:$0x3FC5]  }
0x92: {  	s4 =	sld [smem:$0x3FC4]  }
0x93: {  	s5 =	sld [smem:$0x3FD0];
	(tm) =	ssettm $0x1  }
0x94: {  	s6 =	sld [smem:$0x3FFB];
	_ =	sdelay $0x3  }
0x95: {  	_ =	strace s6  }
0x96: {  	s6 =	sld [smem:$0x3FFC];
	_ =	sdelay $0x3  }
0x97: {  	_ =	strace s6  }
0x98: {  	s6 =	sld [smem:$0x3FFD];
	_ =	sdelay $0x3  }
0x99: {  	_ =	strace s6  }
0x9a: {  	_ =	strace $0x8FFFFFFF  }
0x9b: {  	s19 =	sld [smem:$0x3FDB];
	_ =	sdelay $0x1  }
0x9c: {  	s7 =	simm.s32 $_scs_section_size  }
0x9d: {  	s8 =	simm.s32 $_size__tile_overlayer_lowered;
	s9 =	simm.s32 $_tile_overlayer_lowered  }
0x9e: {  	s22 =	simm.s32 $0x1BFF;
	s21 =	sshll.u32 s9, $0x1;
	s6 =	sadd.s32 s7, s19  }
0x9f: {  	s10 =	simm.s32 $0x0;
	s20 =	sshll.u32 s8, $0x1;
	s8 =	sadd.s32 s21, s6  }
0xa0: {  	[timem:s10], [sflag:s22] =	dma.local [hbm:s8], s20  }
0xa1: {  	_ =	swait.ge [sflag:s22], s20  }
0xa2: {  	s7 =	ssub.s32 $0x0, s20;
	[sflag:s22] =	ssyncset.done $0x0  }
0xa3: {  	[sflag:s22] =	ssyncadd.s32 s7;
	_ =	sdelay $0x1  }
0xa4: {  	s23 =	simm.s32 $0x1B8B  }
0xa5: {  	_ =	swait.ge [sflag:s23], $0x1  }
0xa6: {  	[sflag:s23] =	ssyncset.done $0x0  }
0xa7: {  	s25 =	simm.s32 $0x1B8E;
	s24 =	sld [smem:$0x3FFE];
	[sflag:s23] =	ssyncadd.s32 $0xFFFFFFFF  }
0xa8: {  	s26 =	simm.s32 $execute0_lowered;
	[smem:$0x3FD2] =	sst s25  }
0xa9: {  	s8 =	sshll.u32 s26, $0x1;
	_ =	strace $0x80000046;
	[dreg:$0x1] =	wrdreg $0xFFFFFFFF  }
0xaa: {  	s28 =	simm.s32 $_size_execute0_lowered;
	s6 =	sadd.s32 s6, s8;
	[dreg:$0x0] =	wrdreg $0x0  }
0xab: {  	s8 =	sshll.u32 s28, $0x1;
	[dreg:$0x2] =	wrdreg s6  }
0xac: {  	[dreg:$0x3] =	wrdreg s8  }
0xad: {  	[dreg:$0x4] =	wrdreg $0xC0  }
0xae: {  	_ =	task [dreg:s10], $0x5FFFF  }
0xaf: {  	[dreg:$0x1] =	wrdreg $0xFFFFFFFF  }
0xb0: {  	[dreg:$0x0] =	wrdreg $0x60  }
0xb1: {  	[dreg:$0x2] =	wrdreg s24  }
0xb2: {  	[dreg:$0x3] =	wrdreg s5  }
0xb3: {  	[dreg:$0x4] =	wrdreg s2  }
0xb4: {  	[dreg:$0x5] =	wrdreg s18  }
0xb5: {  	[dreg:$0x6] =	wrdreg s4  }
0xb6: {  	[dreg:$0x7] =	wrdreg $0xB3A00  }
0xb7: {  	[dreg:$0x8] =	wrdreg $0xB6180  }
0xb8: {  	[dreg:$0x9] =	wrdreg $0x9  }
0xb9: {  	_ =	task.clear_ibuf [dreg:s10], $0xAFFFF;
	_ =	strace $0x90000046  }
0xba: {  	s29 =	simm.s32 $0x9;
	_ =	strace $0x80000048  }
0xbb: {  	_ =	swait.ge [sflag:s29], $0x1  }
0xbc: {  	[sflag:s29] =	ssyncadd.s32 $0xFFFFFFFF  }
0xbd: {  	_ =	strace $0x90000048  }
0xbe: {  	_ =	sfence  }
0xbf: {  	s30 =	sld [smem:$0x0];
	_ =	sdelay $0x2  }
0xc0: {  	s31 =	sshll.u32 s1, $0xD;
	s1 =	sshrl.u32 s1, $0x2  }
0xc1: {  	s3 =	sand.u32 $0x4000, s31;
	s1 =	sadd.s32 s1, s30  }
0xc2: {  	s0 =	sor.u32 s3, s0;
	s1 =	sshll.u32 s1, $0x11  }
0xc3: {  	s0 =	sor.u32 s1, s0  }
0xc4: {  	s0 =	sadd.s32 $0x8F2B, s0  }
0xc5: {  	[sflag:s0] =	ssyncadd.remote.s32 $0x1  }
0xc6: {  	_ =	sfence.sel $0xFFFF  }
0xc7: {  	[dreg:$0x0] =	wrdreg $0xFFFFFFFF;
	(pc) =	sbr.abs _section_cstart, $3  }
0xc8: {  	[dreg:$0x1] =	wrdreg $0xFFFFFFFF  }
0xc9: {  	_ =	task.clear_ibuf [dreg:s10], $0x2FFFF;
	_ =	strace $0x9FFFFFFF  }
0xca: {  	(tm) =	ssettm $0x7FFFFFFF  }
0xcb: {  	_ =	shalt  }
tec
execute0_lowered:
.L_overlay_start_1:
0x0: {  	(tag) =	ssettag $0x1  }
0x1: {  	s1 =	rddreg [dreg:$0x0]  }
0x2: {  	s16 =	rddreg [dreg:$0x1]  }
0x3: {  	s2 =	rddreg [dreg:$0x3]  }
0x4: {  	s8 =	rddreg [dreg:$0x4];
	s0 =	srdreg.scid  }
0x5: {  	s14 =	stileid.u32;
	s6 =	simm.s32 $0x0;
	s0 =	sand.u32 $0x1, s0  }
0x6: {  	s3 =	sshll.u32 s14, $0x1;
	[smem:$0x7FF] =	sst s6;
	s7 =	smul.u32 $0x280, s14  }
0x7: {  	s18 =	sshll.u32 s14, $0x6;
	s17 =	sadd.s32 $0x600, s1;
	s3 =	sor.u32 s0, s3  }
0x8: {  	_ =	strace $0x80000047;
	s0 =	ssub.s32 $0x2, s0;
	[dreg:$0x12] =	wrdreg s17  }
0x9: {  	s3 =	smul.u32 $0x280, s3;
	s11 =	sshrl.u32 s0, $0x1;
	s13 =	smin.u32 s7, $0x2490  }
0xa: {  	s11 =	ssub.s32 s0, s11;
	s19 =	sshrl.u32 s13, $0x3;
	s7 =	sadd.s32 $0x80, s13  }
0xb: {  	s0 =	smin.u32 s18, $0x3A8;
	s5 =	sadd.s32 $0x180, s13;
	s18 =	sadd.s32 $0x67D, s1  }
0xc: {  	s12 =	smin.u32 s3, $0x4BA0;
	s3 =	sadd.s32 s2, s19;
	[dreg:$0x13] =	wrdreg s18  }
0xd: {  	s20 =	sshrl.u32 s7, $0x3;
	s19 =	sadd.s32 $0x6FA, s1;
	[dreg:$0x8] =	wrdreg s3  }
0xe: {  	s15 =	sshrl.u32 s5, $0x3;
	s3 =	sadd.s32 s2, s20;
	[dreg:$0x14] =	wrdreg s19  }
0xf: {  	s9 =	sadd.s32 $0xE00, s1;
	s22 =	sadd.s32 s2, s15;
	[dreg:$0x9] =	wrdreg s3  }
0x10: {  	s12 =	sshrl.u32 s12, $0x3;
	s20 =	sadd.s32 $0x777, s1;
	[dreg:$0xb] =	wrdreg s22  }
0x11: {  	s10 =	sadd.s32 $0x2200, s1;
	s25 =	sadd.s32 s9, s12;
	[dreg:$0x15] =	wrdreg s20  }
0x12: {  	s15 =	sadd.s32 s10, s12;
	[dreg:$0xe] =	wrdreg s25  }
0x13: {  	s22 =	sadd.s32 $0x871, s1;
	[dreg:$0x10] =	wrdreg s15  }
0x14: {  	s26 =	sadd.s32 $0x9C4, s12;
	s12 =	sadd.s32 $0x140, s13;
	[dreg:$0x17] =	wrdreg s22  }
0x15: {  	s4 =	sadd.s32 $0x200, s13;
	s25 =	sadd.s32 $0x9E8, s1;
	[smem:$0x7EC] =	sst s12  }
0x16: {  	s3 =	sadd.s32 $0x100, s13;
	s15 =	sadd.s32 $0x150, s13;
	[dreg:$0x1a] =	wrdreg s25  }
0x17: {  	s21 =	sshrl.u32 s3, $0x3;
	s12 =	sadd.s32 $0x1B0, s13;
	[smem:$0x7ED] =	sst s15  }
0x18: {  	s23 =	sshrl.u32 s4, $0x3;
	s14 =	sadd.s32 s2, s21;
	[smem:$0x7F1] =	sst s12  }
0x19: {  	s2 =	sadd.s32 s2, s23;
	[dreg:$0xa] =	wrdreg s14  }
0x1a: {  	s21 =	sadd.s32 $0x7F4, s1;
	[dreg:$0xc] =	wrdreg s2  }
0x1b: {  	s23 =	sadd.s32 $0x8EE, s1;
	[dreg:$0x16] =	wrdreg s21  }
0x1c: {  	s15 =	sadd.s32 $0x1C0, s13;
	[dreg:$0x18] =	wrdreg s23  }
0x1d: {  	s24 =	sshrl.u32 s0, $0x3;
	s12 =	sadd.s32 $0x210, s13;
	[smem:$0x7F2] =	sst s15  }
0x1e: {  	s2 =	sadd.s32 s8, s24;
	[smem:$0x7F6] =	sst s12  }
0x1f: {  	s14 =	sadd.s32 s9, s26;
	[dreg:$0xd] =	wrdreg s2  }
0x20: {  	s24 =	sadd.s32 $0x96B, s1;
	[dreg:$0xf] =	wrdreg s14  }
0x21: {  	s8 =	sadd.s32 $0xAE2, s1;
	[dreg:$0x19] =	wrdreg s24  }
0x22: {  	s9 =	smax.u32 s11, $0x1;
	[dreg:$0x1c] =	wrdreg s8  }
0x23: {  	s11 =	sadd.s32 $0x9C4, s16;
	[dreg:$0x1e] =	wrdreg s9  }
0x24: {  	s15 =	sadd.s32 $0x220, s13;
	[smem:$0x7EB] =	sst s11  }
0x25: {  	s12 =	sadd.s32 $0x260, s13;
	[smem:$0x7F7] =	sst s15  }
0x26: {  	s2 =	sadd.s32 s10, s26;
	[smem:$0x7FB] =	sst s12  }
0x27: {  	s26 =	sadd.s32 $0xA65, s1;
	[dreg:$0x11] =	wrdreg s2  }
0x28: {  	s1 =	sadd.s32 $0xB5F, s1;
	[dreg:$0x1b] =	wrdreg s26  }
0x29: {  	s10 =	sadd.s32 $0x4E2, s16;
	[dreg:$0x1d] =	wrdreg s1  }
0x2a: {  	s24 =	sadd.s32 $0x170, s13;
	[dreg:$0x1f] =	wrdreg s10  }
0x2b: {  	s11 =	sadd.s32 $0x1A0, s13;
	[smem:$0x7EE] =	sst s24  }
0x2c: {  	s15 =	sadd.s32 $0x270, s13;
	[smem:$0x7F0] =	sst s11  }
0x2d: {  	v0 =	vlaneseq.u32;
	s8 =	sadd.s32 $0x130, s13;
	[smem:$0x7FC] =	sst s15  }
0x2e: {  	s10 =	sadd.s32 $0x190, s13;
	v19 =	vor.u32 s8, v0;
	s8 =	sld [smem:$0x7EC]  }
0x2f: {  	s24 =	sadd.s32 $0x1D0, s13;
	[smem:$0x7EF] =	sst s10  }
0x30: {  	s11 =	sadd.s32 $0x1F0, s13;
	[smem:$0x7F3] =	sst s24  }
0x31: {  	s2 =	sadd.s32 $0xF0, s13;
	[smem:$0x7F5] =	sst s11  }
0x32: {  	v15 =	vor.u32 s2, v0;
	s2 =	sld [smem:$0x7ED]  }
0x33: {  	v16 =	vor.u32 s3, v0;
	s3 =	sld [smem:$0x7EE]  }
0x34: {  	v57 =	vor.u32 s7, v0;
	s10 =	sadd.s32 $0x1E0, s13;
	s7 =	sld [smem:$0x7F0]  }
0x35: {  	s24 =	sadd.s32 $0x230, s13;
	[smem:$0x7F4] =	sst s10  }
0x36: {  	s17 =	sadd.s32 $0x30, s13;
	s11 =	sadd.s32 $0x250, s13;
	[smem:$0x7F8] =	sst s24  }
0x37: {  	s28 =	sadd.s32 $0xD0, s13;
	s29 =	sadd.s32 $0x110, s13;
	[smem:$0x7FA] =	sst s11  }
0x38: {  	s30 =	sadd.s32 $0x120, s13;
	v24 =	vor.u32 s5, v0;
	s10 =	sadd.s32 $0x240, s13;
	s5 =	sld [smem:$0x7EF]  }
0x39: {  	s31 =	sadd.s32 $0x160, s13;
	s24 =	sadd.s32 $0x30, s0;
	[smem:$0x7F9] =	sst s10  }
0x3a: {  	v1 =	vor.u32 s13, v0;
	s18 =	sor.u32 $0x40, s13;
	v52 =	vor.u32 s17, v0;
	s17 =	simm.s32 $0x85E8;
	[smem:$0x7FD] =	sst s24  }
0x3b: {  	v62 =	vor.u32 s28, v0;
	s28 =	simm.s32 $0x80;
	v17 =	vor.u32 s29, v0;
	s29 =	simm.s32 $0x3;
	v20 =	vor.u32 s8, v0;
	s8 =	sld [smem:$0x7F1]  }
0x3c: {  	[tilespmem:$0x1FF10] =	vst v1;
	v18 =	vor.u32 s30, v0;
	v22 =	vor.u32 s31, v0;
	s30 =	simm.s32 $0x2;
	s31 =	simm.s32 $0x4;
	v21 =	vor.u32 s2, v0;
	s2 =	sld [smem:$0x7F2]  }
0x3d: {  	s19 =	sadd.s32 $0x50, s13;
	[tilespmem:$0x1FF40] =	vst v52;
	v53 =	vor.u32 s18, v0;
	s18 =	simm.s32 $0x89D0;
	v23 =	vor.u32 s3, v0;
	s3 =	sld [smem:$0x7F3]  }
0x3e: {  	[tilespmem:$0x1FF90] =	vst v57;
	s20 =	sor.u32 $0x60, s13;
	v54 =	vor.u32 s19, v0;
	s19 =	simm.s32 $0x8DB8;
	v26 =	vor.u32 s7, v0;
	s7 =	sld [smem:$0x7F5]  }
0x3f: {  	v32 =	vor.u32 s4, v0;
	[tilespmem:$0x1FFE0] =	vst v62;
	s22 =	sadd.s32 $0x90, s13;
	s10 =	sadd.s32 $0x20, s0;
	s4 =	sld [smem:$0x7F9]  }
0x40: {  	[tilespmem:$0x1FF50] =	vst v53;
	v55 =	vor.u32 s20, v0;
	s20 =	simm.s32 $0x91A0;
	s25 =	sadd.s32 $0xB0, s13;
	v42 =	vadd.s32 s10, v0;
	s10 =	sld [smem:$0x7FD]  }
0x41: {  	[tilespmem:$0x1FF60] =	vst v54;
	v58 =	vor.u32 s22, v0;
	s22 =	simm.s32 $0x9970;
	s21 =	sadd.s32 $0x70, s13;
	v25 =	vor.u32 s5, v0;
	s5 =	sld [smem:$0x7F4]  }
0x42: {  	[tilespmem:$0x1FF70] =	vst v55;
	s23 =	sadd.s32 $0xA0, s13;
	v60 =	vor.u32 s25, v0;
	s25 =	simm.s32 $0xA528;
	v27 =	vor.u32 s8, v0;
	s8 =	sld [smem:$0x7F6]  }
0x43: {  	[tilespmem:$0x1FFA0] =	vst v58;
	s14 =	sadd.s32 $0x10, s13;
	s16 =	sor.u32 $0x20, s13;
	v28 =	vor.u32 s2, v0;
	s2 =	sld [smem:$0x7F7]  }
0x44: {  	s9 =	sor.u32 $0x10, s0;
	s12 =	simm.s32 $0x2C10;
	v56 =	vor.u32 s21, v0;
	[tilespmem:$0x1FFC0] =	vst v60;
	v29 =	vor.u32 s3, v0;
	s3 =	sld [smem:$0x7F8]  }
0x45: {  	s21 =	simm.s32 $0x9588;
	v59 =	vor.u32 s23, v0;
	s23 =	simm.s32 $0x9D58;
	[tilespmem:$0x1FF80] =	vst v56;
	v31 =	vor.u32 s7, v0;
	s7 =	sld [smem:$0x7FB]  }
0x46: {  	v40 =	vadd.s32 s0, v0;
	s26 =	sadd.s32 $0xC0, s13;
	s1 =	sadd.s32 $0xE0, s13;
	v50 =	vor.u32 s14, v0;
	[tilespmem:$0x1FFB0] =	vst v59;
	v30 =	vor.u32 s5, v0;
	s5 =	sld [smem:$0x7FA]  }
0x47: {  	s14 =	simm.s32 $0x7A30;
	s15 =	simm.s32 $0x7E18;
	v51 =	vor.u32 s16, v0;
	v41 =	vadd.s32 s9, v0;
	[tilespmem:$0x1FF20] =	vst v50;
	v33 =	vor.u32 s8, v0;
	s8 =	sld [smem:$0x7FC]  }
0x48: {  	s16 =	simm.s32 $0x8200;
	s9 =	simm.s32 $0xAB20;
	[tilespmem:$0x1FF30] =	vst v51;
	v61 =	vor.u32 s26, v0;
	s26 =	simm.s32 $0x1;
	v63 =	vor.u32 s1, v0;
	v36 =	vor.u32 s4, v0  }
0x49: {  	s11 =	simm.s32 $0x500;
	s13 =	simm.s32 $0x5320;
	[tilespmem:$0x1FFD0] =	vst v61;
	s24 =	simm.s32 $0xA140;
	v43 =	vadd.s32 s10, v0;
	v34 =	vor.u32 s2, v0;
	v35 =	vor.u32 s3, v0  }
0x4a: {  	[tilespmem:$0x1FFF0] =	vst v63;
	s10 =	simm.s32 $0xABA0;
	v38 =	vor.u32 s7, v0;
	s3 =	simm.s32 $0x0;
	v37 =	vor.u32 s5, v0;
	s5 =	simm.s32 $0x280;
	v39 =	vor.u32 s8, v0  }
.LBB2_1:
0x4b: {  	s0 =	rddreg [dreg:$0x8];
	s1 =	simm.s32 $0xA920  }
0x4c: {  	[tilespmem:s1], [sflag:$0x1] =	stream.linear.gather [hbm4b:s0+s6], $0x80, $0x38;
	[tilespmem:$0xBB58] =	vst v63  }
0x4d: {  	s7 =	rddreg [dreg:$0x9];
	s2 =	simm.s32 $0xA9A0  }
0x4e: {  	[tilespmem:s2], [sflag:$0x1] =	stream.linear.gather [hbm4b:s7+s6], $0x80, $0x38;
	[tilespmem:$0xBB58] =	vst v63  }
0x4f: {  	s8 =	rddreg [dreg:$0xa];
	s7 =	simm.s32 $0xAA20  }
0x50: {  	[tilespmem:s7], [sflag:$0x1] =	stream.linear.gather [hbm4b:s8+s6], $0x80, $0x38;
	[tilespmem:$0xBB58] =	vst v63  }
0x51: {  	s4 =	rddreg [dreg:$0xb];
	s8 =	simm.s32 $0xAAA0  }
0x52: {  	[tilespmem:s8], [sflag:$0x1] =	stream.linear.gather [hbm4b:s4+s6], $0x80, $0x38;
	[tilespmem:$0xBB58] =	vst v63  }
0x53: {  	s4 =	rddreg [dreg:$0xc]  }
0x54: {  	[tilespmem:s9], [sflag:$0x1] =	stream.linear.gather [hbm4b:s4+s6], $0x80, $0x38;
	[tilespmem:$0xBB58] =	vst v63  }
0x55: {  	s4 =	rddreg [dreg:$0xd]  }
0x56: {  	[tilespmem:s10], [sflag:$0x1] =	stream.linear.gather [hbm4b:s4+s6], $0x40, $0x38;
	[tilespmem:$0xBB58] =	vst v63  }
0x57: {  	s4 =	rddreg [dreg:$0xe]  }
0x58: {  	[tilespmem:s6], [sflag:$0x2] =	stream.linear.gather [hbm4b:s4+s6], $0x280, $0x38;
	[tilespmem:$0xBB58] =	vst v63  }
0x59: {  	s4 =	rddreg [dreg:$0xf]  }
0x5a: {  	[tilespmem:s5], [sflag:$0x2] =	stream.linear.gather [hbm4b:s4+s6], $0x280, $0x38;
	[tilespmem:$0xBB58] =	vst v63  }
0x5b: {  	s0 =	rddreg [dreg:$0x2];
	s4 =	simm.s32 $0xA910  }
0x5c: {  	[tilespmem:s4], [sflag:$0x2] =	stream.linear.gather [hbm4b:s0+s6], $0x10, $0x38;
	[tilespmem:$0xBB58] =	vst v63  }
0x5d: {  	s4 =	rddreg [dreg:$0x1]  }
0x5e: {  	[tilespmem:s11], [sflag:$0x2] =	stream.linear.gather [hbm4b:s4+s6], $0x2710, $0x38;
	[tilespmem:$0xBB58] =	vst v63  }
0x5f: {  	s4 =	rddreg [dreg:$0x1f]  }
0x60: {  	[tilespmem:s12], [sflag:$0x2] =	stream.linear.gather [hbm4b:s4+s6], $0x2710, $0x38;
	[tilespmem:$0xBB58] =	vst v63  }
0x61: {  	s4 =	sld [smem:$0x7EB];
	_ =	sdelay $0x2  }
0x62: {  	[tilespmem:s13], [sflag:$0x2] =	stream.linear.gather [hbm4b:s4+s6], $0x2710, $0x38;
	[tilespmem:$0xBB58] =	vst v63  }
0x63: {  	s4 =	rddreg [dreg:$0x12]  }
0x64: {  	[tilespmem:s14], [sflag:$0x2] =	stream.linear.gather [hbm4b:s4+s6], $0x3E8, $0x38;
	[tilespmem:$0xBB58] =	vst v63  }
0x65: {  	s4 =	rddreg [dreg:$0x13]  }
0x66: {  	[tilespmem:s15], [sflag:$0x2] =	stream.linear.gather [hbm4b:s4+s6], $0x3E8, $0x38;
	[tilespmem:$0xBB58] =	vst v63  }
0x67: {  	s4 =	rddreg [dreg:$0x14]  }
0x68: {  	[tilespmem:s16], [sflag:$0x2] =	stream.linear.gather [hbm4b:s4+s6], $0x3E8, $0x38;
	[tilespmem:$0xBB58] =	vst v63  }
0x69: {  	s4 =	rddreg [dreg:$0x15]  }
0x6a: {  	[tilespmem:s17], [sflag:$0x2] =	stream.linear.gather [hbm4b:s4+s6], $0x3E8, $0x38;
	[tilespmem:$0xBB58] =	vst v63  }
0x6b: {  	s4 =	rddreg [dreg:$0x16]  }
0x6c: {  	[tilespmem:s18], [sflag:$0x2] =	stream.linear.gather [hbm4b:s4+s6], $0x3E8, $0x38;
	[tilespmem:$0xBB58] =	vst v63  }
0x6d: {  	s4 =	rddreg [dreg:$0x17]  }
0x6e: {  	[tilespmem:s19], [sflag:$0x2] =	stream.linear.gather [hbm4b:s4+s6], $0x3E8, $0x38;
	[tilespmem:$0xBB58] =	vst v63  }
0x6f: {  	s4 =	rddreg [dreg:$0x18]  }
0x70: {  	[tilespmem:s20], [sflag:$0x2] =	stream.linear.gather [hbm4b:s4+s6], $0x3E8, $0x38;
	[tilespmem:$0xBB58] =	vst v63  }
0x71: {  	s4 =	rddreg [dreg:$0x19]  }
0x72: {  	[tilespmem:s21], [sflag:$0x2] =	stream.linear.gather [hbm4b:s4+s6], $0x3E8, $0x38;
	[tilespmem:$0xBB58] =	vst v63  }
0x73: {  	s4 =	rddreg [dreg:$0x1a]  }
0x74: {  	[tilespmem:s22], [sflag:$0x2] =	stream.linear.gather [hbm4b:s4+s6], $0x3E8, $0x38;
	[tilespmem:$0xBB58] =	vst v63  }
0x75: {  	s4 =	rddreg [dreg:$0x1b]  }
0x76: {  	v0 =	vld [tilespmem:$0x1FF10];
	[tilespmem:s23], [sflag:$0x2] =	stream.linear.gather [hbm4b:s4+s6], $0x3E8, $0x38  }
0x77: {  	s4 =	rddreg [dreg:$0x1c]  }
0x78: {  	[tilespmem:s24], [sflag:$0x2] =	stream.linear.gather [hbm4b:s4+s6], $0x3E8, $0x38;
	[tilespmem:$0xBB58] =	vst v63  }
0x79: {  	s4 =	rddreg [dreg:$0x1d]  }
0x7a: {  	[tilespmem:s25], [sflag:$0x2] =	stream.linear.gather [hbm4b:s4+s6], $0x3E8, $0x38;
	[tilespmem:$0xBB58] =	vst v63  }
0x7b: {  	[tilespmem:$0xABE0] =	vst v0;
	v0 =	vld [tilespmem:$0x1FF20];
	_ =	sdelay $0x4  }
0x7c: {  	[tilespmem:$0xABF0] =	vst v0;
	v0 =	vld [tilespmem:$0x1FF30];
	_ =	sdelay $0x4  }
0x7d: {  	[tilespmem:$0xAC00] =	vst v0;
	v0 =	vld [tilespmem:$0x1FF40];
	_ =	sdelay $0x4  }
0x7e: {  	[tilespmem:$0xAC10] =	vst v0;
	v0 =	vld [tilespmem:$0x1FF50];
	_ =	sdelay $0x4  }
0x7f: {  	[tilespmem:$0xAC20] =	vst v0;
	v0 =	vld [tilespmem:$0x1FF60];
	_ =	sdelay $0x4  }
0x80: {  	[tilespmem:$0xAC30] =	vst v0;
	v0 =	vld [tilespmem:$0x1FF70];
	_ =	sdelay $0x4  }
0x81: {  	[tilespmem:$0xAC40] =	vst v0;
	v0 =	vld [tilespmem:$0x1FF80];
	_ =	sdelay $0x3  }
0x82: {  	[tilespmem:$0xACD0] =	vst v15  }
0x83: {  	[tilespmem:$0xAC50] =	vst v0;
	v0 =	vld [tilespmem:$0x1FF90]  }
0x84: {  	[tilespmem:$0xACE0] =	vst v16  }
0x85: {  	[tilespmem:$0xACF0] =	vst v17  }
0x86: {  	[tilespmem:$0xAD00] =	vst v18  }
0x87: {  	[tilespmem:$0xAD10] =	vst v19  }
0x88: {  	[tilespmem:$0xAC60] =	vst v0;
	v0 =	vld [tilespmem:$0x1FFA0]  }
0x89: {  	[tilespmem:$0xAD20] =	vst v20  }
0x8a: {  	[tilespmem:$0xAD30] =	vst v21  }
0x8b: {  	[tilespmem:$0xAD40] =	vst v22  }
0x8c: {  	[tilespmem:$0xAD50] =	vst v23  }
0x8d: {  	[tilespmem:$0xAC70] =	vst v0;
	v0 =	vld [tilespmem:$0x1FFB0]  }
0x8e: {  	[tilespmem:$0xAD60] =	vst v24  }
0x8f: {  	[tilespmem:$0xAD70] =	vst v25  }
0x90: {  	[tilespmem:$0xAD80] =	vst v26  }
0x91: {  	[tilespmem:$0xAD90] =	vst v27  }
0x92: {  	[tilespmem:$0xAC80] =	vst v0;
	v0 =	vld [tilespmem:$0x1FFC0]  }
0x93: {  	[tilespmem:$0xADA0] =	vst v28  }
0x94: {  	[tilespmem:$0xADB0] =	vst v29  }
0x95: {  	[tilespmem:$0xADC0] =	vst v30  }
0x96: {  	[tilespmem:$0xADD0] =	vst v31  }
0x97: {  	[tilespmem:$0xAC90] =	vst v0;
	v0 =	vld [tilespmem:$0x1FFD0]  }
0x98: {  	[tilespmem:$0xADE0] =	vst v32  }
0x99: {  	[tilespmem:$0xADF0] =	vst v33  }
0x9a: {  	[tilespmem:$0xAE00] =	vst v34  }
0x9b: {  	[tilespmem:$0xAE10] =	vst v35  }
0x9c: {  	[tilespmem:$0xACA0] =	vst v0;
	v0 =	vld [tilespmem:$0x1FFE0]  }
0x9d: {  	[tilespmem:$0xAE20] =	vst v36  }
0x9e: {  	[tilespmem:$0xAE30] =	vst v37  }
0x9f: {  	[tilespmem:$0xAE40] =	vst v38  }
0xa0: {  	[tilespmem:$0xAE50] =	vst v39  }
0xa1: {  	[tilespmem:$0xACB0] =	vst v0;
	v0 =	vld [tilespmem:$0x1FFF0]  }
0xa2: {  	[tilespmem:$0xAE60] =	vst v40  }
0xa3: {  	[tilespmem:$0xAE70] =	vst v41  }
0xa4: {  	[tilespmem:$0xAE80] =	vst v42  }
0xa5: {  	[tilespmem:$0xAE90] =	vst v43  }
0xa6: {  	[tilespmem:$0xACC0] =	vst v0  }
0xa7: {  	_ =	swait.ge [sflag:s26], $0x80  }
0xa8: {  	[sflag:s26] =	ssyncset.done $0x0  }
0xa9: {  	[sflag:s26] =	ssyncadd.s32 $0xFFFFFF80  }
0xaa: {  	_ =	swait.ge [sflag:s26], $0x80  }
0xab: {  	[sflag:s26] =	ssyncset.done $0x0  }
0xac: {  	[sflag:s26] =	ssyncadd.s32 $0xFFFFFF80  }
0xad: {  	_ =	swait.ge [sflag:s26], $0x80  }
0xae: {  	[sflag:s26] =	ssyncset.done $0x0  }
0xaf: {  	[sflag:s26] =	ssyncadd.s32 $0xFFFFFF80  }
0xb0: {  	_ =	swait.ge [sflag:s26], $0x80  }
0xb1: {  	[sflag:s26] =	ssyncset.done $0x0  }
0xb2: {  	[sflag:s26] =	ssyncadd.s32 $0xFFFFFF80  }
0xb3: {  	_ =	swait.ge [sflag:s26], $0x80  }
0xb4: {  	[sflag:s26] =	ssyncset.done $0x0  }
0xb5: {  	[sflag:s26] =	ssyncadd.s32 $0xFFFFFF80  }
0xb6: {  	_ =	swait.ge [sflag:s26], $0x40  }
0xb7: {  	[sflag:s26] =	ssyncset.done $0x0  }
0xb8: {  	[sflag:s26] =	ssyncadd.s32 $0xFFFFFFC0  }
0xb9: {  	s0 =	simm.s32 $0xABE0;
	s4 =	rddreg [dreg:$0x5]  }
0xba: {  	[spmem:s4] =	stream.indirect.scatter [tilespmem:s0], [sflag:$0x3], $0x1, s1, s28, $0xb8;
	[tilespmem:$0xBB58] =	vst v63  }
0xbb: {  	s1 =	simm.s32 $0xAC60  }
0xbc: {  	[spmem:s4] =	stream.indirect.scatter [tilespmem:s1], [sflag:$0x3], $0x1, s2, s28, $0xb8;
	[tilespmem:$0xBB58] =	vst v63  }
0xbd: {  	s2 =	simm.s32 $0xACE0  }
0xbe: {  	[spmem:s4] =	stream.indirect.scatter [tilespmem:s2], [sflag:$0x3], $0x1, s7, s28, $0xb8;
	[tilespmem:$0xBB58] =	vst v63  }
0xbf: {  	s1 =	simm.s32 $0xAD60  }
0xc0: {  	[spmem:s4] =	stream.indirect.scatter [tilespmem:s1], [sflag:$0x3], $0x1, s8, s28, $0xb8;
	[tilespmem:$0xBB58] =	vst v63  }
0xc1: {  	s2 =	simm.s32 $0xADE0  }
0xc2: {  	[spmem:s4] =	stream.indirect.scatter [tilespmem:s2], [sflag:$0x3], $0x1, s9, s28, $0xb8;
	[tilespmem:$0xBB58] =	vst v63  }
0xc3: {  	s0 =	rddreg [dreg:$0x6];
	s7 =	simm.s32 $0x40;
	s8 =	simm.s32 $0xAE60  }
0xc4: {  	[spmem:s0] =	stream.indirect.scatter [tilespmem:s8], [sflag:$0x3], $0x1, s10, s7, $0xb8;
	[tilespmem:$0xBB58] =	vst v63  }
0xc5: {  	_ =	swait.ge [sflag:s29], $0x80  }
0xc6: {  	[sflag:s29] =	ssyncset.done $0x0  }
0xc7: {  	[sflag:s29] =	ssyncadd.s32 $0xFFFFFF80  }
0xc8: {  	_ =	swait.ge [sflag:s29], $0x80  }
0xc9: {  	[sflag:s29] =	ssyncset.done $0x0  }
0xca: {  	[sflag:s29] =	ssyncadd.s32 $0xFFFFFF80  }
0xcb: {  	_ =	swait.ge [sflag:s29], $0x80  }
0xcc: {  	[sflag:s29] =	ssyncset.done $0x0  }
0xcd: {  	[sflag:s29] =	ssyncadd.s32 $0xFFFFFF80  }
0xce: {  	_ =	swait.ge [sflag:s29], $0x80  }
0xcf: {  	[sflag:s29] =	ssyncset.done $0x0  }
0xd0: {  	[sflag:s29] =	ssyncadd.s32 $0xFFFFFF80  }
0xd1: {  	_ =	swait.ge [sflag:s29], $0x80  }
0xd2: {  	[sflag:s29] =	ssyncset.done $0x0  }
0xd3: {  	[sflag:s29] =	ssyncadd.s32 $0xFFFFFF80  }
0xd4: {  	_ =	swait.ge [sflag:s29], $0x40  }
0xd5: {  	[sflag:s29] =	ssyncset.done $0x0  }
0xd6: {  	[sflag:s29] =	ssyncadd.s32 $0xFFFFFFC0  }
0xd7: {  	[bflag:$0x0] =	sbarrier.arrive $0xFFFF  }
0xd8: {  	_ =	swait.ge [sflag:s30], $0x280  }
0xd9: {  	[sflag:s30] =	ssyncset.done $0x0  }
0xda: {  	[sflag:s30] =	ssyncadd.s32 $0xFFFFFD80  }
0xdb: {  	_ =	swait.ge [sflag:s30], $0x280  }
0xdc: {  	[sflag:s30] =	ssyncset.done $0x0  }
0xdd: {  	s7 =	simm.s32 $0xB120;
	[sflag:s30] =	ssyncadd.s32 $0xFFFFFD80  }
0xde: {  	[tilespmem:s7], [sflag:$0x4] =	stream.indirect.gather [spmem:s0], $0x1, s6, s28, $0xb8;
	[tilespmem:$0xBB58] =	vst v63  }
0xdf: {  	s8 =	simm.s32 $0xAEA0  }
0xe0: {  	[tilespmem:s8], [sflag:$0x4] =	stream.indirect.gather [spmem:s4], $0x1, s5, s28, $0xb8;
	[tilespmem:$0xBB58] =	vst v63  }
0xe1: {  	s2 =	simm.s32 $0xB1A0  }
0xe2: {  	[tilespmem:s2], [sflag:$0x4] =	stream.indirect.gather [spmem:s0], $0x1, s28, s28, $0xb8;
	[tilespmem:$0xBB58] =	vst v63  }
0xe3: {  	s7 =	simm.s32 $0x300;
	s8 =	simm.s32 $0xAF20  }
0xe4: {  	[tilespmem:s8], [sflag:$0x4] =	stream.indirect.gather [spmem:s4], $0x1, s7, s28, $0xb8;
	[tilespmem:$0xBB58] =	vst v63  }
0xe5: {  	s7 =	simm.s32 $0x100;
	s8 =	simm.s32 $0xB220  }
0xe6: {  	[tilespmem:s8], [sflag:$0x4] =	stream.indirect.gather [spmem:s0], $0x1, s7, s28, $0xb8;
	[tilespmem:$0xBB58] =	vst v63  }
0xe7: {  	s7 =	simm.s32 $0x380;
	s8 =	simm.s32 $0xAFA0  }
0xe8: {  	[tilespmem:s8], [sflag:$0x4] =	stream.indirect.gather [spmem:s4], $0x1, s7, s28, $0xb8;
	[tilespmem:$0xBB58] =	vst v63  }
0xe9: {  	s7 =	simm.s32 $0x180;
	s8 =	simm.s32 $0xB2A0  }
0xea: {  	[tilespmem:s8], [sflag:$0x4] =	stream.indirect.gather [spmem:s0], $0x1, s7, s28, $0xb8;
	[tilespmem:$0xBB58] =	vst v63  }
0xeb: {  	s7 =	simm.s32 $0x400;
	s8 =	simm.s32 $0xB020  }
0xec: {  	[tilespmem:s8], [sflag:$0x4] =	stream.indirect.gather [spmem:s4], $0x1, s7, s28, $0xb8;
	[tilespmem:$0xBB58] =	vst v63  }
0xed: {  	s7 =	simm.s32 $0x200;
	s8 =	simm.s32 $0xB320  }
0xee: {  	[tilespmem:s8], [sflag:$0x4] =	stream.indirect.gather [spmem:s0], $0x1, s7, s28, $0xb8;
	[tilespmem:$0xBB58] =	vst v63  }
0xef: {  	s2 =	simm.s32 $0x480;
	s7 =	simm.s32 $0xB0A0  }
0xf0: {  	[tilespmem:s7], [sflag:$0x4] =	stream.indirect.gather [spmem:s4], $0x1, s2, s28, $0xb8;
	[tilespmem:$0xBB58] =	vst v63  }
0xf1: {  	_ =	swait.ge [sflag:s30], $0x10  }
0xf2: {  	[sflag:s30] =	ssyncset.done $0x0  }
0xf3: {  	[sflag:s30] =	ssyncadd.s32 $0xFFFFFFF0  }
0xf4: {  	_ =	swait.ge [sflag:s30], $0x2710  }
0xf5: {  	[sflag:s30] =	ssyncset.done $0x0  }
0xf6: {  	[sflag:s30] =	ssyncadd.s32 $0xFFFFD8F0  }
0xf7: {  	_ =	swait.ge [sflag:s30], $0x2710  }
0xf8: {  	[sflag:s30] =	ssyncset.done $0x0  }
0xf9: {  	[sflag:s30] =	ssyncadd.s32 $0xFFFFD8F0  }
0xfa: {  	_ =	swait.ge [sflag:s30], $0x2710  }
0xfb: {  	[sflag:s30] =	ssyncset.done $0x0  }
0xfc: {  	[sflag:s30] =	ssyncadd.s32 $0xFFFFD8F0  }
0xfd: {  	_ =	swait.ge [sflag:s30], $0x3E8  }
0xfe: {  	[sflag:s30] =	ssyncset.done $0x0  }
0xff: {  	[sflag:s30] =	ssyncadd.s32 $0xFFFFFC18  }
0x100: {  	_ =	swait.ge [sflag:s30], $0x3E8  }
0x101: {  	[sflag:s30] =	ssyncset.done $0x0  }
0x102: {  	[sflag:s30] =	ssyncadd.s32 $0xFFFFFC18  }
0x103: {  	_ =	swait.ge [sflag:s30], $0x3E8  }
0x104: {  	[sflag:s30] =	ssyncset.done $0x0  }
0x105: {  	[sflag:s30] =	ssyncadd.s32 $0xFFFFFC18  }
0x106: {  	_ =	swait.ge [sflag:s30], $0x3E8  }
0x107: {  	[sflag:s30] =	ssyncset.done $0x0  }
0x108: {  	[sflag:s30] =	ssyncadd.s32 $0xFFFFFC18  }
0x109: {  	_ =	swait.ge [sflag:s30], $0x3E8  }
0x10a: {  	[sflag:s30] =	ssyncset.done $0x0  }
0x10b: {  	[sflag:s30] =	ssyncadd.s32 $0xFFFFFC18  }
0x10c: {  	_ =	swait.ge [sflag:s30], $0x3E8  }
0x10d: {  	[sflag:s30] =	ssyncset.done $0x0  }
0x10e: {  	[sflag:s30] =	ssyncadd.s32 $0xFFFFFC18  }
0x10f: {  	_ =	swait.ge [sflag:s30], $0x3E8  }
0x110: {  	[sflag:s30] =	ssyncset.done $0x0  }
0x111: {  	[sflag:s30] =	ssyncadd.s32 $0xFFFFFC18  }
0x112: {  	_ =	swait.ge [sflag:s30], $0x3E8  }
0x113: {  	[sflag:s30] =	ssyncset.done $0x0  }
0x114: {  	[sflag:s30] =	ssyncadd.s32 $0xFFFFFC18  }
0x115: {  	_ =	swait.ge [sflag:s30], $0x3E8  }
0x116: {  	[sflag:s30] =	ssyncset.done $0x0  }
0x117: {  	[sflag:s30] =	ssyncadd.s32 $0xFFFFFC18  }
0x118: {  	_ =	swait.ge [sflag:s30], $0x3E8  }
0x119: {  	[sflag:s30] =	ssyncset.done $0x0  }
0x11a: {  	[sflag:s30] =	ssyncadd.s32 $0xFFFFFC18  }
0x11b: {  	_ =	swait.ge [sflag:s30], $0x3E8  }
0x11c: {  	[sflag:s30] =	ssyncset.done $0x0  }
0x11d: {  	[sflag:s30] =	ssyncadd.s32 $0xFFFFFC18  }
0x11e: {  	_ =	swait.ge [sflag:s30], $0x3E8  }
0x11f: {  	[sflag:s30] =	ssyncset.done $0x0  }
0x120: {  	[sflag:s30] =	ssyncadd.s32 $0xFFFFFC18  }
0x121: {  	_ =	swait.ge [sflag:s31], $0x80  }
0x122: {  	[sflag:s31] =	ssyncset.done $0x0  }
0x123: {  	[sflag:s31] =	ssyncadd.s32 $0xFFFFFF80  }
0x124: {  	_ =	swait.ge [sflag:s31], $0x80  }
0x125: {  	[sflag:s31] =	ssyncset.done $0x0  }
0x126: {  	[sflag:s31] =	ssyncadd.s32 $0xFFFFFF80  }
0x127: {  	_ =	swait.ge [sflag:s31], $0x80  }
0x128: {  	[sflag:s31] =	ssyncset.done $0x0  }
0x129: {  	[sflag:s31] =	ssyncadd.s32 $0xFFFFFF80  }
0x12a: {  	_ =	swait.ge [sflag:s31], $0x80  }
0x12b: {  	[sflag:s31] =	ssyncset.done $0x0  }
0x12c: {  	[sflag:s31] =	ssyncadd.s32 $0xFFFFFF80  }
0x12d: {  	_ =	swait.ge [sflag:s31], $0x80  }
0x12e: {  	[sflag:s31] =	ssyncset.done $0x0  }
0x12f: {  	[sflag:s31] =	ssyncadd.s32 $0xFFFFFF80  }
0x130: {  	_ =	swait.ge [sflag:s31], $0x80  }
0x131: {  	[sflag:s31] =	ssyncset.done $0x0  }
0x132: {  	[sflag:s31] =	ssyncadd.s32 $0xFFFFFF80  }
0x133: {  	_ =	swait.ge [sflag:s31], $0x80  }
0x134: {  	[sflag:s31] =	ssyncset.done $0x0  }
0x135: {  	[sflag:s31] =	ssyncadd.s32 $0xFFFFFF80  }
0x136: {  	_ =	swait.ge [sflag:s31], $0x80  }
0x137: {  	[sflag:s31] =	ssyncset.done $0x0  }
0x138: {  	[sflag:s31] =	ssyncadd.s32 $0xFFFFFF80  }
0x139: {  	_ =	swait.ge [sflag:s31], $0x80  }
0x13a: {  	[sflag:s31] =	ssyncset.done $0x0  }
0x13b: {  	[sflag:s31] =	ssyncadd.s32 $0xFFFFFF80  }
0x13c: {  	_ =	swait.ge [sflag:s31], $0x80  }
0x13d: {  	[sflag:s31] =	ssyncset.done $0x0  }
0x13e: {  	[sflag:s31] =	ssyncadd.s32 $0xFFFFFF80  }
0x13f: {  	s8 =	simm.s32 $0xAEC0;
	v47 =	vld [tilespmem:$0xA910]  }
0x140: {  	v0 =	vld [tilespmem:s8+$0x10]  }
0x141: {  	s2 =	simm.s32 $0xB140;
	v1 =	vld [tilespmem:s8+$0xFFFFFFE0]  }
0x142: {  	v44 =	vld [tilespmem:s2+$0x10]  }
0x143: {  	v49 =	vld [tilespmem:s2+$0xFFFFFFF0]  }
0x144: {  	v45 =	vld [tilespmem:s8+$0xFFFFFFF0]  }
0x145: {  	v48 =	vld [tilespmem:s2+$0x0]  }
0x146: {  	v46 =	vld [tilespmem:s8+$0x0]  }
0x147: {  	v50 =	vld [tilespmem:s2+$0xFFFFFFE0]  }
0x148: {  	v51 =	vld.idx.msk [tilespmem:v0+s11+$0x0], $0xffff  }
0x149: {  	v52 =	vld.idx.msk [tilespmem:v0+s12+$0x0], $0xffff  }
0x14a: {  	v53 =	vld.idx.msk [tilespmem:v44+s22+$0x0], $0xffff  }
0x14b: {  	v54 =	vld.idx.msk [tilespmem:v44+s23+$0x0], $0xffff  }
0x14c: {  	v0 =	vld.idx.msk [tilespmem:v0+s13+$0x0], $0xffff  }
0x14d: {  	v55 =	vld.idx.msk [tilespmem:v44+s24+$0x0], $0xffff  }
0x14e: {  	v56 =	vld.idx.msk [tilespmem:v1+s11+$0x0], $0xffff  }
0x14f: {  	v57 =	vld.idx.msk [tilespmem:v1+s12+$0x0], $0xffff  }
0x150: {  	v58 =	vld.idx.msk [tilespmem:v50+s22+$0x0], $0xffff  }
0x151: {  	v59 =	vld.idx.msk [tilespmem:v44+s25+$0x0], $0xffff  }
0x152: {  	v60 =	vld.idx.msk [tilespmem:v50+s23+$0x0], $0xffff  }
0x153: {  	v61 =	vld.idx.msk [tilespmem:v45+s11+$0x0], $0xffff  }
0x154: {  	v62 =	vld.idx.msk [tilespmem:v45+s12+$0x0], $0xffff  }
0x155: {  	v63 =	vld.idx.msk [tilespmem:v49+s22+$0x0], $0xffff  }
0x156: {  	v2 =	vld.idx.msk [tilespmem:v49+s23+$0x0], $0xffff  }
0x157: {  	v3 =	vld.idx.msk [tilespmem:v44+s14+$0x0], $0xffff  }
0x158: {  	v4 =	vld.idx.msk [tilespmem:v44+s15+$0x0], $0xffff  }
0x159: {  	v5 =	vld.idx.msk [tilespmem:v44+s18+$0x0], $0xffff  }
0x15a: {  	v6 =	vld.idx.msk [tilespmem:v44+s19+$0x0], $0xffff  }
0x15b: {  	v7 =	vld.idx.msk [tilespmem:v44+s16+$0x0], $0xffff  }
0x15c: {  	v8 =	vld.idx.msk [tilespmem:v44+s20+$0x0], $0xffff  }
0x15d: {  	v9 =	vld.idx.msk [tilespmem:v46+s11+$0x0], $0xffff  }
0x15e: {  	v10 =	vld.idx.msk [tilespmem:v46+s12+$0x0], $0xffff  }
0x15f: {  	v11 =	vld.idx.msk [tilespmem:v44+s21+$0x0], $0xffff  }
0x160: {  	v1 =	vld.idx.msk [tilespmem:v1+s13+$0x0], $0xffff  }
0x161: {  	v13 =	vld.idx.msk [tilespmem:v45+s13+$0x0], $0xffff;
	v53 =	vmul.f32 v53, v51;
	v54 =	vmul.f32 v54, v52  }
0x162: {  	v14 =	vld.idx.msk [tilespmem:v46+s13+$0x0], $0xffff  }
0x163: {  	v46 =	vld.idx.msk [tilespmem:v50+s25+$0x0], $0xffff;
	v53 =	vadd.f32 v54, v53;
	v54 =	vmul.f32 v55, v0  }
0x164: {  	v5 =	vmul.f32 v5, v51;
	v6 =	vmul.f32 v6, v52;
	v55 =	vld.idx.msk [tilespmem:v44+s17+$0x0], $0xffff  }
0x165: {  	v7 =	vmul.f32 v7, v0;
	v0 =	vmul.f32 v8, v0;
	v8 =	vld.idx.msk [tilespmem:v50+s15+$0x0], $0xffff;
	v44 =	vadd.f32 v54, v53  }
0x166: {  	v5 =	vadd.f32 v6, v5;
	v6 =	vld.idx.msk [tilespmem:v50+s18+$0x0], $0xffff  }
0x167: {  	v53 =	vld.idx.msk [tilespmem:v48+s22+$0x0], $0xffff;
	v44 =	vadd.f32 v44, v59  }
0x168: {  	v45 =	vmul.f32 v58, v56;
	v59 =	vld.idx.msk [tilespmem:v50+s24+$0x0], $0xffff  }
0x169: {  	v58 =	vmul.f32 v60, v57;
	v60 =	vmul.f32 v63, v61;
	v54 =	vld.idx.msk [tilespmem:v48+s23+$0x0], $0xffff;
	v12 =	vand.u32 $0x7FFFFFFF, v44  }
0x16a: {  	v3 =	vmul.f32 v3, v51;
	v4 =	vmul.f32 v4, v52;
	vm1 =	vgt.f32 v12, $9.999999930e-09;
	v12 =	vld.idx.msk [tilespmem:v49+s24+$0x0], $0xffff  }
0x16b: {  	v2 =	vmul.f32 v2, v62;
	v0 =	vadd.f32 v0, v5;
	v5 =	vld.idx.msk [tilespmem:v50+s19+$0x0], $0xffff;
	v44 =	vnsel vm1, $0x3F800000, v44  }
0x16c: {  	v45 =	vadd.f32 v58, v45;
	v3 =	vadd.f32 v4, v3;
	(erf) = vrcp.f32 v44;
	v44 =	vld.idx.msk [tilespmem:v48+s24+$0x0], $0xffff  }
0x16d: {  	v2 =	vadd.f32 v2, v60;
	v0 =	vadd.f32 v0, v11;
	v11 =	vld.idx.msk [tilespmem:v49+s18+$0x0], $0xffff;
	v59 =	vmul.f32 v59, v1  }
0x16e: {  	v51 =	vld.idx.msk [tilespmem:v49+s25+$0x0], $0xffff;
	v3 =	vadd.f32 v7, v3;
	v58 =	vmul.f32 v53, v9;
	v63 =	vmul.f32 v54, v10  }
0x16f: {  	v6 =	vmul.f32 v6, v56;
	v54 =	vld.idx.msk [tilespmem:v50+s14+$0x0], $0xffff;
	v52 =	vadd.f32 v59, v45;
	v12 =	vmul.f32 v12, v13  }
0x170: {  	v60 =	vld.idx.msk [tilespmem:v48+s25+$0x0], $0xffff;
	v8 =	vmul.f32 v8, v57;
	v5 =	vmul.f32 v5, v57;
	v4 =	vadd.f32 v63, v58  }
0x171: {  	v7 =	vadd.f32 v52, v46;
	v46 =	vld.idx.msk [tilespmem:v49+s14+$0x0], $0xffff;
	v2 =	vadd.f32 v12, v2;
	v12 =	vmul.f32 v44, v14  }
0x172: {  	v3 =	vadd.f32 v3, v55;
	v11 =	vmul.f32 v11, v61;
	v45 =	vbroadcast v47, $0x0  }
0x173: {  	v63 =	vld.idx.msk [tilespmem:v49+s19+$0x0], $0xffff;
	v58 =	vand.u32 $0x7FFFFFFF, v7;
	v2 =	vadd.f32 v2, v51;
	v4 =	vadd.f32 v12, v4  }
0x174: {  	v44 =	vbroadcast v47, $0x2;
	v12 =	vld.idx.msk [tilespmem:v49+s15+$0x0], $0xffff;
	vm0 =	vgt.f32 v58, $9.999999930e-09;
	v58 =	vmul.f32 v54, v56  }
0x175: {  	v54 =	vld.idx.msk [tilespmem:v48+s19+$0x0], $0xffff;
	v7 =	vnsel vm0, $0x3F800000, v7;
	v4 =	vadd.f32 v4, v60;
	v60 =	vand.u32 $0x7FFFFFFF, v2  }
0x176: {  	v59 =	vpop (erf);
	(erf) = vrcp.f32 v7;
	v7 =	vld.idx.msk [tilespmem:v48+s14+$0x0], $0xffff;
	v46 =	vmul.f32 v46, v61;
	vm15 =	vgt.f32 v60, $9.999999930e-09  }
0x177: {  	v61 =	vld.idx.msk [tilespmem:v50+s20+$0x0], $0xffff;
	v51 =	vnsel vm1, $0x3F800000, v59;
	v2 =	vnsel vm15, $0x3F800000, v2;
	v55 =	vand.u32 $0x7FFFFFFF, v4  }
0x178: {  	v3 =	vmul.f32 v51, v3;
	(erf) = vrcp.f32 v2;
	v2 =	vld.idx.msk [tilespmem:v48+s15+$0x0], $0xffff;
	vm2 =	vgt.f32 v55, $9.999999930e-09  }
0x179: {  	v60 =	vld.idx.msk [tilespmem:v50+s16+$0x0], $0xffff;
	v0 =	vmul.f32 v51, v0;
	v12 =	vmul.f32 v12, v62;
	v4 =	vnsel vm2, $0x3F800000, v4  }
0x17a: {  	v59 =	vld.idx.msk [tilespmem:v48+s18+$0x0], $0xffff;
	v62 =	vmul.f32 v63, v62;
	(erf) = vrcp.f32 v4  }
0x17b: {  	v5 =	vadd.f32 v5, v6;
	v56 =	vld.idx.msk [tilespmem:v49+s20+$0x0], $0xffff;
	v3 =	vmul.f32 v3, v45;
	v7 =	vmul.f32 v7, v9  }
0x17c: {  	v63 =	vld.idx.msk [tilespmem:v49+s16+$0x0], $0xffff;
	v12 =	vadd.f32 v12, v46;
	v46 =	vbroadcast v47, $0x4;
	v47 =	vbroadcast v47, $0x5  }
0x17d: {  	v57 =	vld.idx.msk [tilespmem:v49+s17+$0x0], $0xffff;
	v8 =	vadd.f32 v8, v58;
	v2 =	vmul.f32 v2, v10;
	v10 =	vmul.f32 v54, v10  }
0x17e: {  	v6 =	vadd.f32 v62, v11;
	v11 =	vld.idx.msk [tilespmem:v48+s16+$0x0], $0xffff;
	v4 =	vmul.f32 v60, v1;
	v1 =	vmul.f32 v61, v1  }
0x17f: {  	v9 =	vmul.f32 v59, v9;
	v3 =	vadd.f32 v3, v44;
	v51 =	vadd.f32 v2, v7;
	v2 =	vld.idx.msk [tilespmem:v48+s20+$0x0], $0xffff  }
0x180: {  	v0 =	vmul.f32 v0, v46;
	v54 =	vld.idx.msk [tilespmem:v50+s17+$0x0], $0xffff;
	v62 =	vadd.f32 v1, v5;
	v1 =	vmul.f32 v56, v13  }
0x181: {  	s1 =	simm.s32 $0xB678;
	v55 =	vld.idx.msk [tilespmem:v50+s21+$0x0], $0xffff;
	v61 =	vadd.f32 v4, v8;
	v53 =	vadd.f32 v10, v9;
	v9 =	vmul.f32 v63, v13;
	v10 =	vpop (erf)  }
0x182: {  	v58 =	vld.idx.msk [tilespmem:v49+s21+$0x0], $0xffff;
	[tilespmem:s1+$0x10] =	vst v3;
	v3 =	vadd.f32 v0, v47;
	v0 =	vadd.f32 v1, v6;
	v52 =	vpop (erf)  }
0x183: {  	s0 =	simm.s32 $0xB8F8;
	v59 =	vld.idx.msk [tilespmem:v48+s17+$0x0], $0xffff;
	v1 =	vmul.f32 v11, v14;
	v63 =	vadd.f32 v9, v12;
	v56 =	vnsel vm0, $0x3F800000, v10;
	v60 =	vpop (erf)  }
0x184: {  	s7 =	simm.s32 $0x0;
	s8 =	simm.s32 $0xAF00;
	[tilespmem:s0+$0x10] =	vst v3;
	v50 =	vnsel vm15, $0x3F800000, v52;
	v49 =	vmul.f32 v2, v14;
	v52 =	vnsel vm2, $0x3F800000, v60;
	v60 =	vld.idx.msk [tilespmem:v48+s21+$0x0], $0xffff  }
.LBB2_2:
0x185: {  	v2 =	vld [tilespmem:s8+$0x10];
	v3 =	vadd.f32 v61, v54;
	v1 =	vadd.f32 v1, v51  }
0x186: {  	v5 =	vadd.f32 v62, v55;
	s2 =	sadd.s32 $0x40, s2;
	v4 =	vld [tilespmem:s8+$0xFFFFFFE0];
	v6 =	vadd.f32 v49, v53  }
0x187: {  	v8 =	vadd.f32 v63, v57;
	v7 =	vld [tilespmem:s2+$0x10];
	v3 =	vmul.f32 v56, v3  }
0x188: {  	v5 =	vmul.f32 v56, v5;
	v0 =	vadd.f32 v0, v58;
	v48 =	vld [tilespmem:s2+$0xFFFFFFF0]  }
0x189: {  	s7 =	sadd.s32 $0x4, s7;
	v8 =	vmul.f32 v50, v8;
	v1 =	vadd.f32 v1, v59;
	v9 =	vld [tilespmem:s8+$0xFFFFFFF0];
	v3 =	vmul.f32 v3, v45  }
0x18a: {  	p0 =	slt.u32 s7, $0x24;
	v5 =	vmul.f32 v5, v46;
	v0 =	vmul.f32 v50, v0;
	v6 =	vadd.f32 v6, v60;
	v49 =	vld [tilespmem:s2+$0x0]  }
0x18b: {  	v8 =	vmul.f32 v8, v45;
	v1 =	vmul.f32 v52, v1;
	v10 =	vld [tilespmem:s8+$0x0];
	v3 =	vadd.f32 v3, v44  }
0x18c: {  	v5 =	vadd.f32 v5, v47;
	v0 =	vmul.f32 v0, v46;
	v6 =	vmul.f32 v52, v6;
	v50 =	vld [tilespmem:s2+$0xFFFFFFE0]  }
0x18d: {  	v1 =	vmul.f32 v1, v45;
	v11 =	vld.idx.msk [tilespmem:v2+s11+$0x0], $0xffff;
	[tilespmem:s1+$0xFFFFFFE0] =	vst v3;
	v3 =	vadd.f32 v8, v44  }
0x18e: {  	v0 =	vadd.f32 v0, v47;
	v8 =	vld.idx.msk [tilespmem:v2+s12+$0x0], $0xffff;
	[tilespmem:s0+$0xFFFFFFE0] =	vst v5;
	v5 =	vmul.f32 v6, v46  }
0x18f: {  	v1 =	vadd.f32 v1, v44;
	v6 =	vld.idx.msk [tilespmem:v7+s22+$0x0], $0xffff;
	[tilespmem:s1+$0xFFFFFFF0] =	vst v3  }
0x190: {  	v3 =	vld.idx.msk [tilespmem:v7+s23+$0x0], $0xffff;
	[tilespmem:s0+$0xFFFFFFF0] =	vst v0;
	v0 =	vadd.f32 v5, v47  }
0x191: {  	v2 =	vld.idx.msk [tilespmem:v2+s13+$0x0], $0xffff;
	[tilespmem:s1+$0x0] =	vst v1  }
0x192: {  	v1 =	vld.idx.msk [tilespmem:v7+s24+$0x0], $0xffff;
	[tilespmem:s0+$0x0] =	vst v0  }
0x193: {  	v52 =	vld.idx.msk [tilespmem:v4+s11+$0x0], $0xffff  }
0x194: {  	v54 =	vld.idx.msk [tilespmem:v4+s12+$0x0], $0xffff  }
0x195: {  	v0 =	vld.idx.msk [tilespmem:v50+s22+$0x0], $0xffff  }
0x196: {  	v6 =	vmul.f32 v6, v11;
	v3 =	vmul.f32 v3, v8;
	v5 =	vld.idx.msk [tilespmem:v7+s25+$0x0], $0xffff  }
0x197: {  	v12 =	vld.idx.msk [tilespmem:v50+s23+$0x0], $0xffff  }
0x198: {  	v3 =	vadd.f32 v3, v6;
	v1 =	vmul.f32 v1, v2;
	v51 =	vld.idx.msk [tilespmem:v9+s11+$0x0], $0xffff  }
0x199: {  	v53 =	vld.idx.msk [tilespmem:v9+s12+$0x0], $0xffff  }
0x19a: {  	v1 =	vadd.f32 v1, v3;
	v6 =	vld.idx.msk [tilespmem:v48+s22+$0x0], $0xffff  }
0x19b: {  	v0 =	vmul.f32 v0, v52;
	v3 =	vld.idx.msk [tilespmem:v48+s23+$0x0], $0xffff  }
0x19c: {  	v1 =	vadd.f32 v1, v5;
	v13 =	vld.idx.msk [tilespmem:v7+s14+$0x0], $0xffff  }
0x19d: {  	v5 =	vmul.f32 v12, v54;
	v12 =	vld.idx.msk [tilespmem:v7+s15+$0x0], $0xffff  }
0x19e: {  	v55 =	vand.u32 $0x7FFFFFFF, v1;
	v14 =	vld.idx.msk [tilespmem:v7+s18+$0x0], $0xffff  }
0x19f: {  	v0 =	vadd.f32 v5, v0;
	vm0 =	vgt.f32 v55, $9.999999930e-09;
	v5 =	vld.idx.msk [tilespmem:v7+s19+$0x0], $0xffff  }
0x1a0: {  	v6 =	vmul.f32 v6, v51;
	v1 =	vnsel vm0, $0x3F800000, v1;
	v55 =	vld.idx.msk [tilespmem:v7+s16+$0x0], $0xffff  }
0x1a1: {  	v3 =	vmul.f32 v3, v53;
	v56 =	vld.idx.msk [tilespmem:v7+s20+$0x0], $0xffff;
	(erf) = vrcp.f32 v1  }
0x1a2: {  	v1 =	vld.idx.msk [tilespmem:v10+s11+$0x0], $0xffff  }
0x1a3: {  	v3 =	vadd.f32 v3, v6;
	v6 =	vld.idx.msk [tilespmem:v10+s12+$0x0], $0xffff  }
0x1a4: {  	v13 =	vmul.f32 v13, v11;
	v12 =	vmul.f32 v12, v8;
	v57 =	vld.idx.msk [tilespmem:v7+s17+$0x0], $0xffff  }
0x1a5: {  	v11 =	vmul.f32 v14, v11;
	v5 =	vmul.f32 v5, v8;
	v7 =	vld.idx.msk [tilespmem:v7+s21+$0x0], $0xffff  }
0x1a6: {  	v12 =	vadd.f32 v12, v13;
	v13 =	vmul.f32 v55, v2;
	v8 =	vld.idx.msk [tilespmem:v49+s22+$0x0], $0xffff  }
0x1a7: {  	v5 =	vadd.f32 v5, v11;
	v2 =	vmul.f32 v56, v2;
	v14 =	vld.idx.msk [tilespmem:v49+s23+$0x0], $0xffff  }
0x1a8: {  	v13 =	vadd.f32 v13, v12;
	v4 =	vld.idx.msk [tilespmem:v4+s13+$0x0], $0xffff  }
0x1a9: {  	v2 =	vadd.f32 v2, v5;
	v12 =	vld.idx.msk [tilespmem:v50+s24+$0x0], $0xffff  }
0x1aa: {  	v5 =	vld.idx.msk [tilespmem:v9+s13+$0x0], $0xffff;
	v9 =	vadd.f32 v13, v57;
	v11 =	vpop (erf)  }
0x1ab: {  	v2 =	vadd.f32 v2, v7;
	v13 =	vld.idx.msk [tilespmem:v48+s24+$0x0], $0xffff;
	v7 =	vnsel vm0, $0x3F800000, v11  }
0x1ac: {  	v8 =	vmul.f32 v8, v1;
	v10 =	vld.idx.msk [tilespmem:v10+s13+$0x0], $0xffff;
	v9 =	vmul.f32 v7, v9  }
0x1ad: {  	v14 =	vmul.f32 v14, v6;
	v2 =	vmul.f32 v7, v2;
	v11 =	vld.idx.msk [tilespmem:v49+s24+$0x0], $0xffff  }
0x1ae: {  	v7 =	vld.idx.msk [tilespmem:v50+s25+$0x0], $0xffff;
	v9 =	vmul.f32 v9, v45  }
0x1af: {  	v12 =	vmul.f32 v12, v4;
	v8 =	vadd.f32 v14, v8;
	v2 =	vmul.f32 v2, v46;
	v55 =	vld.idx.msk [tilespmem:v48+s25+$0x0], $0xffff  }
0x1b0: {  	v14 =	vld.idx.msk [tilespmem:v49+s25+$0x0], $0xffff;
	v9 =	vadd.f32 v9, v44  }
0x1b1: {  	s1 =	sadd.s32 $0x40, s1;
	v0 =	vadd.f32 v12, v0;
	v12 =	vmul.f32 v13, v5;
	v2 =	vadd.f32 v2, v47;
	v56 =	vld.idx.msk [tilespmem:v50+s14+$0x0], $0xffff  }
0x1b2: {  	s0 =	sadd.s32 $0x40, s0;
	v13 =	vld.idx.msk [tilespmem:v50+s15+$0x0], $0xffff;
	[tilespmem:s1+$0x10] =	vst v9  }
0x1b3: {  	v3 =	vadd.f32 v12, v3;
	v11 =	vmul.f32 v11, v10;
	v9 =	vld.idx.msk [tilespmem:v50+s18+$0x0], $0xffff;
	[tilespmem:s0+$0x10] =	vst v2  }
0x1b4: {  	v0 =	vadd.f32 v0, v7;
	v2 =	vld.idx.msk [tilespmem:v50+s19+$0x0], $0xffff  }
0x1b5: {  	v3 =	vadd.f32 v3, v55;
	v8 =	vadd.f32 v11, v8;
	v7 =	vld.idx.msk [tilespmem:v48+s14+$0x0], $0xffff  }
0x1b6: {  	v11 =	vand.u32 $0x7FFFFFFF, v0;
	v12 =	vld.idx.msk [tilespmem:v48+s15+$0x0], $0xffff  }
0x1b7: {  	vm0 =	vgt.f32 v11, $9.999999930e-09;
	v55 =	vand.u32 $0x7FFFFFFF, v3;
	v8 =	vadd.f32 v8, v14;
	v11 =	vld.idx.msk [tilespmem:v48+s18+$0x0], $0xffff  }
0x1b8: {  	v14 =	vmul.f32 v56, v52;
	v0 =	vnsel vm0, $0x3F800000, v0;
	vm2 =	vgt.f32 v55, $9.999999930e-09;
	v56 =	vld.idx.msk [tilespmem:v48+s19+$0x0], $0xffff  }
0x1b9: {  	v3 =	vnsel vm2, $0x3F800000, v3;
	v57 =	vand.u32 $0x7FFFFFFF, v8;
	v55 =	vld.idx.msk [tilespmem:v49+s14+$0x0], $0xffff;
	(erf) = vrcp.f32 v0  }
0x1ba: {  	v0 =	vmul.f32 v13, v54;
	vm1 =	vgt.f32 v57, $9.999999930e-09;
	v13 =	vld.idx.msk [tilespmem:v49+s15+$0x0], $0xffff;
	(erf) = vrcp.f32 v3  }
0x1bb: {  	v2 =	vmul.f32 v2, v54;
	v3 =	vmul.f32 v9, v52;
	v8 =	vnsel vm1, $0x3F800000, v8;
	v9 =	vld.idx.msk [tilespmem:v49+s18+$0x0], $0xffff  }
0x1bc: {  	v7 =	vmul.f32 v7, v51;
	v0 =	vadd.f32 v0, v14;
	v14 =	vld.idx.msk [tilespmem:v49+s19+$0x0], $0xffff;
	(erf) = vrcp.f32 v8  }
0x1bd: {  	v2 =	vadd.f32 v2, v3;
	v3 =	vmul.f32 v12, v53;
	v11 =	vmul.f32 v11, v51;
	v8 =	vld.idx.msk [tilespmem:v50+s16+$0x0], $0xffff  }
0x1be: {  	v51 =	vmul.f32 v56, v53;
	v12 =	vld.idx.msk [tilespmem:v50+s20+$0x0], $0xffff  }
0x1bf: {  	v3 =	vadd.f32 v3, v7;
	v53 =	vmul.f32 v55, v1;
	v52 =	vld.idx.msk [tilespmem:v48+s16+$0x0], $0xffff  }
0x1c0: {  	v11 =	vadd.f32 v51, v11;
	v13 =	vmul.f32 v13, v6;
	v59 =	vld.idx.msk [tilespmem:v48+s20+$0x0], $0xffff  }
0x1c1: {  	v1 =	vmul.f32 v9, v1;
	v60 =	vld.idx.msk [tilespmem:v49+s16+$0x0], $0xffff  }
0x1c2: {  	v51 =	vadd.f32 v13, v53;
	v6 =	vmul.f32 v14, v6;
	v9 =	vld.idx.msk [tilespmem:v49+s20+$0x0], $0xffff;
	v7 =	vpop (erf)  }
0x1c3: {  	v8 =	vmul.f32 v8, v4;
	v54 =	vld.idx.msk [tilespmem:v50+s17+$0x0], $0xffff;
	v56 =	vnsel vm0, $0x3F800000, v7;
	v7 =	vpop (erf)  }
.Ltmp0:
0x1c4: {  	v4 =	vmul.f32 v12, v4;
	v53 =	vadd.f32 v6, v1;
	v55 =	vld.idx.msk [tilespmem:v50+s21+$0x0], $0xffff;
	v50 =	vnsel vm2, $0x3F800000, v7;
	(pc) =	sbr.rel @p0 .LBB2_2-.Ltmp0, $4  }
0x1c5: {  	v61 =	vadd.f32 v8, v0;
	v0 =	vmul.f32 v52, v5;
	v57 =	vld.idx.msk [tilespmem:v48+s17+$0x0], $0xffff;
	v1 =	vpop (erf)  }
0x1c6: {  	v62 =	vadd.f32 v4, v2;
	v2 =	vmul.f32 v59, v5;
	v58 =	vld.idx.msk [tilespmem:v48+s21+$0x0], $0xffff;
	v52 =	vnsel vm1, $0x3F800000, v1  }
0x1c7: {  	v63 =	vadd.f32 v0, v3;
	v1 =	vmul.f32 v60, v10;
	v59 =	vld.idx.msk [tilespmem:v49+s17+$0x0], $0xffff  }
0x1c8: {  	s8 =	sadd.s32 $0x40, s8;
	v0 =	vadd.f32 v2, v11;
	v60 =	vld.idx.msk [tilespmem:v49+s21+$0x0], $0xffff;
	v49 =	vmul.f32 v9, v10  }
0x1c9: {  	v2 =	vadd.f32 v61, v54  }
0x1ca: {  	v3 =	vadd.f32 v62, v55  }
0x1cb: {  	v1 =	vadd.f32 v1, v51;
	v4 =	vadd.f32 v63, v57;
	v2 =	vmul.f32 v56, v2  }
0x1cc: {  	v5 =	vadd.f32 v49, v53;
	v3 =	vmul.f32 v56, v3;
	v0 =	vadd.f32 v0, v58  }
0x1cd: {  	v4 =	vmul.f32 v50, v4;
	v1 =	vadd.f32 v1, v59;
	v2 =	vmul.f32 v2, v45  }
0x1ce: {  	v3 =	vmul.f32 v3, v46;
	v0 =	vmul.f32 v50, v0;
	v5 =	vadd.f32 v5, v60  }
0x1cf: {  	v4 =	vmul.f32 v4, v45;
	v1 =	vmul.f32 v52, v1;
	v2 =	vadd.f32 v2, v44  }
0x1d0: {  	v3 =	vadd.f32 v3, v47;
	v0 =	vmul.f32 v0, v46;
	v5 =	vmul.f32 v52, v5  }
0x1d1: {  	v61 =	vadd.f32 v4, v44;
	v1 =	vmul.f32 v1, v45;
	[tilespmem:s1+$0xFFFFFFE0] =	vst v2  }
0x1d2: {  	v0 =	vadd.f32 v0, v47;
	v62 =	vmul.f32 v5, v46;
	[tilespmem:s0+$0xFFFFFFE0] =	vst v3  }
0x1d3: {  	[tilespmem:s1+$0xFFFFFFF0] =	vst v61;
	v1 =	vadd.f32 v1, v44  }
0x1d4: {  	[tilespmem:s0+$0xFFFFFFF0] =	vst v0;
	v63 =	vadd.f32 v62, v47  }
0x1d5: {  	[tilespmem:s1+$0x0] =	vst v1  }
0x1d6: {  	[tilespmem:s0+$0x0] =	vst v63  }
0x1d7: {  	s2 =	simm.s32 $0xB658;
	s0 =	rddreg [dreg:$0x10]  }
0x1d8: {  	[hbm4b:s0+s6] =	stream.linear.scatter [tilespmem:s2], [sflag:$0x4], $0x280, $0x38;
	[tilespmem:$0xBB58] =	vst v63  }
0x1d9: {  	s7 =	simm.s32 $0xB8D8;
	s4 =	rddreg [dreg:$0x11]  }
0x1da: {  	[hbm4b:s4+s6] =	stream.linear.scatter [tilespmem:s7], [sflag:$0x4], $0x280, $0x38;
	[tilespmem:$0xBB58] =	vst v63  }
0x1db: {  	_ =	swait.ge [sflag:s31], $0x280  }
0x1dc: {  	[sflag:s31] =	ssyncset.done $0x0  }
0x1dd: {  	[sflag:s31] =	ssyncadd.s32 $0xFFFFFD80  }
0x1de: {  	_ =	swait.ge [sflag:s31], $0x280  }
0x1df: {  	s3 =	sadd.s32 $0x1, s3;
	s8 =	rddreg [dreg:$0x1e]  }
0x1e0: {  	p0 =	sne.s32 s3, s8  }
.Ltmp1:
0x1e1: {  	_ = 	snop;
	(pc) =	sbr.rel @p0 .LBB2_1-.Ltmp1, $3  }
0x1e2: {  	_ =	sdelay $0x1  }
0x1e3: {  	[sflag:s31] =	ssyncset.done $0x0  }
0x1e4: {  	[sflag:s31] =	ssyncadd.s32 $0xFFFFFD80  }
0x1e5: {  	_ =	sfence.sel $0x180000  }
0x1e6: {  	[bflag:$0x0] =	sbarrier.arrive $0xFFFF  }
0x1e7: {  	_ =	strace $0x90000047  }
0x1e8: {  	s0 =	stileid.u32;
	[bflag:$0x2] =	sbarrier.arrive $0xFFFF  }
0x1e9: {  	p0 =	sne.s32 s0, $0x0;
	s0 =	rddreg [dreg:$0x7]  }
0x1ea: {  	s0 =	sadd.s32 @!p0 $0x100000, s0  }
0x1eb: {  	[sflag:s0] =	ssyncadd.tile.s32 @!p0 $0x1;
	_ =	shalt  }
.Lfunc_end2:
_tile_overlayer_lowered:
.L_overlay_start_2:
0x1ec: {  	(tag) =	ssettag $0x2  }
0x1ed: {  	s0 =	rddreg [dreg:$0x0];
	s2 =	stileid.u32  }
0x1ee: {  	s1 =	rddreg [dreg:$0x1];
	p0 =	sne.s32 s2, $0x0  }
0x1ef: {  	s3 =	rddreg [dreg:$0x2];
	[bflag:$0x3] =	sbarrier.arrive $0xFFFF;
	s2 =	simm.s32 @!p0 $0x1C05  }
0x1f0: {  	[timem:s3], [sflag:s2] =	dma.local @!p0 [hbm:s0], s1  }
0x1f1: {  	s0 =	simm.s32 @!p0 $0x5  }
0x1f2: {  	_ =	swait.ge @!p0 [sflag:s0], s1  }
0x1f3: {  	s1 =	ssub.s32 @!p0 $0x0, s1;
	[sflag:s0] =	ssyncset.done @!p0 $0x0  }
0x1f4: {  	[sflag:s0] =	ssyncadd.s32 @!p0 s1  }
0x1f5: {  	[bflag:$0x3] =	sbarrier.arrive $0xFFFF  }
0x1f6: {  	_ =	shalt  }

</sc_bundles>
